<compile_context>
chip_gen: v7x
topology: tpu7x:2x2x1
jax: 0.10.2.dev20260603
libtpu: 0.0.44.dev20260713+nightly
codegen_flags: <defaults>
</compile_context>

<pallas_src>
import functools

import jax
import jax.numpy as jnp
from jax import lax
from jax.experimental import pallas as pl
from jax.experimental.pallas import tpu as pltpu
from jax.experimental.pallas import tpu_sc as plsc

CHUNK = 512
K = 1
NBUF = 3


@functools.lru_cache(maxsize=None)
def _make_kernel(B, D):
    info = plsc.get_sparse_core_info()
    NC, NS = info.num_cores, info.num_subcores
    NW = NC * NS
    b_per_w = B // NW
    n_chunks = b_per_w // CHUNK
    T = n_chunks // K
    assert B == NW * T * K * CHUNK and T >= 6 and (T - 5) % NBUF == 0

    mesh = plsc.VectorSubcoreMesh(core_axis_name="c", subcore_axis_name="s")

    @functools.partial(
        pl.kernel,
        out_type=jax.ShapeDtypeStruct((B, D), jnp.float32),
        mesh=mesh,
        compiler_params=pltpu.CompilerParams(use_tc_tiling_on_sc=False),
        scratch_types=[
            pltpu.VMEM((n_chunks, CHUNK), jnp.int32),
            pltpu.VMEM((NBUF, K * CHUNK, D), jnp.float32),
            pltpu.SemaphoreType.DMA,
            pltpu.SemaphoreType.DMA,
            pltpu.SemaphoreType.DMA,
            pltpu.SemaphoreType.DMA,
            pltpu.SemaphoreType.DMA,
            pltpu.SemaphoreType.DMA,
        ],
    )
    def gather_kernel(
        x_hbm, table_hbm, out_hbm, idx_v, rows_v, g0, g1, g2, s0, s1, s2
    ):
        gsem = (g0, g1, g2)
        ssem = (s0, s1, s2)
        wid = lax.axis_index("s") * NC + lax.axis_index("c")
        row0 = wid * b_per_w

        pltpu.sync_copy(x_hbm.at[wid], idx_v)

        def gathers(t, p):
            return [
                pltpu.make_async_copy(
                    table_hbm.at[idx_v.at[t * K + j]],
                    rows_v.at[p, pl.ds(j * CHUNK, CHUNK)],
                    gsem[p],
                )
                for j in range(K)
            ]

        def stores(t, p):
            return [
                pltpu.make_async_copy(
                    rows_v.at[p],
                    out_hbm.at[pl.ds(row0 + t * K * CHUNK, K * CHUNK)],
                    ssem[p],
                )
            ]

        def step(u, p, drain_prev=True, fire_next=True):
            for d in gathers(u, p):
                d.wait()
            for d in stores(u, p):
                d.start()
            if drain_prev:
                for d in stores(u - 1, (p + 2) % NBUF):
                    d.wait()
            if fire_next:
                for d in gathers(u + 2, (p + 2) % NBUF):
                    d.start()

        for t in range(2):
            for d in gathers(t, t):
                d.start()
        step(0, 0, drain_prev=False)

        def body(i, _):
            u0 = NBUF * i + 1
            for dp in range(NBUF):
                step(u0 + dp, (1 + dp) % NBUF)
            return _

        lax.fori_loop(0, (T - 5) // NBUF, body, None)

        for u in range(T - 4, T):
            step(u, u % NBUF, fire_next=(u + 2 < T))
        for d in stores(T - 1, (T - 1) % NBUF):
            d.wait()

    return gather_kernel


def kernel(x, lut_weight):
    B, H = x.shape
    D = lut_weight.shape[1]
    info = plsc.get_sparse_core_info()
    NW = info.num_cores * info.num_subcores
    n_chunks = (B * H) // (NW * CHUNK)
    idx = x.astype(jnp.int32).reshape(NW, n_chunks, CHUNK)
    out = _make_kernel(B * H, D)(idx, lut_weight)
    return out.reshape(B, H, D)

# --- scband reference (transcript-rebuilt; emitter-appended) ---
"""Pipeline reference for scband-embeddings-1090921693559 (READ-ONLY COPY).

The authoritative reference and input builder live on the scoring server;
editing this copy changes nothing except your own understanding.
"""

import jax, jax.numpy as jnp
import numpy as np

VOCAB = 1000000
EMBED_DIM = 64
PADDING_IDX = 1
BATCH = 16384
HIST = 50


def setup_inputs(seed: int = 0) -> dict:
    key = jax.random.key(seed)
    k_idx, k_tab = jax.random.split(key)
    x = jax.random.randint(k_idx, (BATCH, HIST), 0, VOCAB, dtype=jnp.int64)
    lut_weight = jax.random.normal(k_tab, (VOCAB, EMBED_DIM), dtype=jnp.float32)
    # nn.Embedding with padding_idx zeroes that row at init
    lut_weight = lut_weight.at[PADDING_IDX].set(0.0)
    return {"x": x, "lut_weight": lut_weight}


def reference(x, lut_weight):
    # scale=False, so plain lookup: self.lut(x)
    return jnp.take(lut_weight, x, axis=0)

if __name__ == "__main__":
    import jax
    _d = setup_inputs()
    print(jax.jit(kernel)(*tuple(_d.values())))

</pallas_src>

<mosaic_0001>
#map = affine_map<(d0, d1) -> (0, 0, 0)>
#map1 = affine_map<(d0, d1) -> (0, 0)>
module attributes {stable_mosaic.version = 14 : i64} {
  func.func @gather_kernel(%arg0: i32, %arg1: i32, %arg2: memref<32x50x512xi32, #tpu.memory_space<hbm>>, %arg3: memref<1000000x64xf32, #tpu.memory_space<hbm>>, %arg4: memref<819200x64xf32, #tpu.memory_space<hbm>>, %arg5: memref<50x512xi32, #tpu.memory_space<vmem>>, %arg6: memref<3x512x64xf32, #tpu.memory_space<vmem>>, %arg7: memref<!tpu.dma_semaphore, #tpu.memory_space<semaphore_mem>>, %arg8: memref<!tpu.dma_semaphore, #tpu.memory_space<semaphore_mem>>, %arg9: memref<!tpu.dma_semaphore, #tpu.memory_space<semaphore_mem>>, %arg10: memref<!tpu.dma_semaphore, #tpu.memory_space<semaphore_mem>>, %arg11: memref<!tpu.dma_semaphore, #tpu.memory_space<semaphore_mem>>, %arg12: memref<!tpu.dma_semaphore, #tpu.memory_space<semaphore_mem>>) attributes {dimension_semantics = [#tpu.dimension_semantics<core_parallel>, #tpu.dimension_semantics<subcore_parallel>], iteration_bounds = array<i64: 2, 16>, scalar_prefetch = 0 : i64, scratch_operands = 8 : i64, tpu.core_type = #tpu.core_type<sc_vector_subcore>, window_params = [{transform_indices = #map}, {transform_indices = #map1}, {transform_indices = #map1}]} {
    %mul3A = arith.constant 2 : i32
    %mul3A_0 = arith.muli %arg1, %mul3A : i32
    %add3A = arith.addi %mul3A_0, %arg0 : i32
    %mul3A_1 = arith.constant 25600 : i32
    %mul3A_2 = arith.muli %add3A, %mul3A_1 : i32
    "tpu.region"() ({
      %run_scoped3A = tpu.sem_alloc : memref<!tpu.dma_semaphore, #tpu.memory_space<semaphore_mem>>
      %dma_start3A_275 = arith.constant 0 : i32
      %dma_start3A_276 = arith.constant 0 : i32
      %dma_start3A_277 = tpu.memref_slice %arg2[%add3A, %dma_start3A_275, %dma_start3A_276] : memref<32x50x512xi32, #tpu.memory_space<hbm>> -> memref<1x50x512xi32, #tpu.memory_space<hbm>>
      %dma_start3A_278 = tpu.memref_squeeze %dma_start3A_277 : memref<1x50x512xi32, #tpu.memory_space<hbm>> -> memref<50x512xi32, #tpu.memory_space<hbm>>
      %dma_start3A_279 = arith.constant 0 : i32
      %dma_start3A_280 = arith.constant 0 : i32
      %dma_start3A_281 = tpu.memref_slice %arg2[%add3A, %dma_start3A_279, %dma_start3A_280] : memref<32x50x512xi32, #tpu.memory_space<hbm>> -> memref<1x50x512xi32, #tpu.memory_space<hbm>>
      %dma_start3A_282 = tpu.memref_squeeze %dma_start3A_281 : memref<1x50x512xi32, #tpu.memory_space<hbm>> -> memref<50x512xi32, #tpu.memory_space<hbm>>
      tpu.enqueue_dma source(%dma_start3A_282 : memref<50x512xi32, #tpu.memory_space<hbm>>) target(%arg5 : memref<50x512xi32, #tpu.memory_space<vmem>>) target_semaphore(%run_scoped3A : memref<!tpu.dma_semaphore, #tpu.memory_space<semaphore_mem>>)
      %dma_wait3A_283 = arith.constant 0 : i32
      %dma_wait3A_284 = arith.constant 0 : i32
      %dma_wait3A_285 = tpu.memref_slice %arg2[%add3A, %dma_wait3A_283, %dma_wait3A_284] : memref<32x50x512xi32, #tpu.memory_space<hbm>> -> memref<1x50x512xi32, #tpu.memory_space<hbm>>
      %dma_wait3A_286 = tpu.memref_squeeze %dma_wait3A_285 : memref<1x50x512xi32, #tpu.memory_space<hbm>> -> memref<50x512xi32, #tpu.memory_space<hbm>>
      %dma_wait3A_287 = arith.constant 0 : i32
      %dma_wait3A_288 = arith.constant 0 : i32
      %dma_wait3A_289 = tpu.memref_slice %arg2[%add3A, %dma_wait3A_287, %dma_wait3A_288] : memref<32x50x512xi32, #tpu.memory_space<hbm>> -> memref<1x50x512xi32, #tpu.memory_space<hbm>>
      %dma_wait3A_290 = tpu.memref_squeeze %dma_wait3A_289 : memref<1x50x512xi32, #tpu.memory_space<hbm>> -> memref<50x512xi32, #tpu.memory_space<hbm>>
      tpu.wait_dma2 semaphore(%run_scoped3A : memref<!tpu.dma_semaphore, #tpu.memory_space<semaphore_mem>>) src(%dma_wait3A_290 : memref<50x512xi32, #tpu.memory_space<hbm>>) dst(%arg5 : memref<50x512xi32, #tpu.memory_space<vmem>>)
      tpu.yield
    }) : () -> ()
    %dma_start3A = arith.constant 0 : i32
    %dma_start3A_3 = arith.constant 0 : i32
    %dma_start3A_4 = arith.constant 0 : i32
    %dma_start3A_5 = arith.constant 0 : i32
    %dma_start3A_6 = tpu.memref_slice %arg6[%dma_start3A_3, %dma_start3A_4, %dma_start3A_5] : memref<3x512x64xf32, #tpu.memory_space<vmem>> -> memref<1x512x64xf32, #tpu.memory_space<vmem>>
    %dma_start3A_7 = tpu.memref_squeeze %dma_start3A_6 : memref<1x512x64xf32, #tpu.memory_space<vmem>> -> memref<512x64xf32, #tpu.memory_space<vmem>>
    %dma_start3A_8 = arith.constant 0 : i32
    %dma_start3A_9 = tpu.memref_slice %arg5[%dma_start3A, %dma_start3A_8] : memref<50x512xi32, #tpu.memory_space<vmem>> -> memref<1x512xi32, #tpu.memory_space<vmem>>
    %dma_start3A_10 = tpu.memref_squeeze %dma_start3A_9 : memref<1x512xi32, #tpu.memory_space<vmem>> -> memref<512xi32, #tpu.memory_space<vmem>>
    %dma_start3A_11 = arith.constant 0 : i32
    %dma_start3A_12 = arith.constant 0 : i32
    %dma_start3A_13 = tpu.memref_slice %arg3[%dma_start3A_11, %dma_start3A_12] : memref<1000000x64xf32, #tpu.memory_space<hbm>> -> memref<1000000x64xf32, #tpu.memory_space<hbm>>
    tpu.enqueue_indirect_dma source(%dma_start3A_13 : memref<1000000x64xf32, #tpu.memory_space<hbm>>) target(%dma_start3A_7 : memref<512x64xf32, #tpu.memory_space<vmem>>) offsets(%dma_start3A_10 : memref<512xi32, #tpu.memory_space<vmem>>) semaphore(%arg7 : memref<!tpu.dma_semaphore, #tpu.memory_space<semaphore_mem>>)
    %dma_start3A_14 = arith.constant 1 : i32
    %dma_start3A_15 = arith.constant 1 : i32
    %dma_start3A_16 = arith.constant 0 : i32
    %dma_start3A_17 = arith.constant 0 : i32
    %dma_start3A_18 = tpu.memref_slice %arg6[%dma_start3A_15, %dma_start3A_16, %dma_start3A_17] : memref<3x512x64xf32, #tpu.memory_space<vmem>> -> memref<1x512x64xf32, #tpu.memory_space<vmem>>
    %dma_start3A_19 = tpu.memref_squeeze %dma_start3A_18 : memref<1x512x64xf32, #tpu.memory_space<vmem>> -> memref<512x64xf32, #tpu.memory_space<vmem>>
    %dma_start3A_20 = arith.constant 0 : i32
    %dma_start3A_21 = tpu.memref_slice %arg5[%dma_start3A_14, %dma_start3A_20] : memref<50x512xi32, #tpu.memory_space<vmem>> -> memref<1x512xi32, #tpu.memory_space<vmem>>
    %dma_start3A_22 = tpu.memref_squeeze %dma_start3A_21 : memref<1x512xi32, #tpu.memory_space<vmem>> -> memref<512xi32, #tpu.memory_space<vmem>>
    %dma_start3A_23 = arith.constant 0 : i32
    %dma_start3A_24 = arith.constant 0 : i32
    %dma_start3A_25 = tpu.memref_slice %arg3[%dma_start3A_23, %dma_start3A_24] : memref<1000000x64xf32, #tpu.memory_space<hbm>> -> memref<1000000x64xf32, #tpu.memory_space<hbm>>
    tpu.enqueue_indirect_dma source(%dma_start3A_25 : memref<1000000x64xf32, #tpu.memory_space<hbm>>) target(%dma_start3A_19 : memref<512x64xf32, #tpu.memory_space<vmem>>) offsets(%dma_start3A_22 : memref<512xi32, #tpu.memory_space<vmem>>) semaphore(%arg8 : memref<!tpu.dma_semaphore, #tpu.memory_space<semaphore_mem>>)
    %dma_wait3A = arith.constant 0 : i32
    %dma_wait3A_26 = arith.constant 0 : i32
    %dma_wait3A_27 = arith.constant 0 : i32
    %dma_wait3A_28 = arith.constant 0 : i32
    %dma_wait3A_29 = tpu.memref_slice %arg6[%dma_wait3A_26, %dma_wait3A_27, %dma_wait3A_28] : memref<3x512x64xf32, #tpu.memory_space<vmem>> -> memref<1x512x64xf32, #tpu.memory_space<vmem>>
    %dma_wait3A_30 = tpu.memref_squeeze %dma_wait3A_29 : memref<1x512x64xf32, #tpu.memory_space<vmem>> -> memref<512x64xf32, #tpu.memory_space<vmem>>
    %dma_wait3A_31 = arith.constant 0 : i32
    %dma_wait3A_32 = tpu.memref_slice %arg5[%dma_wait3A, %dma_wait3A_31] : memref<50x512xi32, #tpu.memory_space<vmem>> -> memref<1x512xi32, #tpu.memory_space<vmem>>
    %dma_wait3A_33 = tpu.memref_squeeze %dma_wait3A_32 : memref<1x512xi32, #tpu.memory_space<vmem>> -> memref<512xi32, #tpu.memory_space<vmem>>
    %dma_wait3A_34 = arith.constant 0 : i32
    %dma_wait3A_35 = arith.constant 0 : i32
    %dma_wait3A_36 = tpu.memref_slice %arg3[%dma_wait3A_34, %dma_wait3A_35] : memref<1000000x64xf32, #tpu.memory_space<hbm>> -> memref<1000000x64xf32, #tpu.memory_space<hbm>>
    tpu.wait_indirect_dma semaphore(%arg7 : memref<!tpu.dma_semaphore, #tpu.memory_space<semaphore_mem>>) src(%dma_wait3A_36 : memref<1000000x64xf32, #tpu.memory_space<hbm>>) dst(%dma_wait3A_30 : memref<512x64xf32, #tpu.memory_space<vmem>>)
    %add3A_37 = arith.constant 0 : i32
    %add3A_38 = arith.addi %mul3A_2, %add3A_37 : i32
    %dma_start3A_39 = arith.constant 0 : i32
    %dma_start3A_40 = arith.constant 0 : i32
    %dma_start3A_41 = arith.constant 0 : i32
    %dma_start3A_42 = tpu.memref_slice %arg6[%dma_start3A_39, %dma_start3A_40, %dma_start3A_41] : memref<3x512x64xf32, #tpu.memory_space<vmem>> -> memref<1x512x64xf32, #tpu.memory_space<vmem>>
    %dma_start3A_43 = tpu.memref_squeeze %dma_start3A_42 : memref<1x512x64xf32, #tpu.memory_space<vmem>> -> memref<512x64xf32, #tpu.memory_space<vmem>>
    %dma_start3A_44 = arith.constant 0 : i32
    %dma_start3A_45 = tpu.memref_slice %arg4[%add3A_38, %dma_start3A_44] : memref<819200x64xf32, #tpu.memory_space<hbm>> -> memref<512x64xf32, #tpu.memory_space<hbm>>
    %dma_start3A_46 = arith.constant 0 : i32
    %dma_start3A_47 = tpu.memref_slice %arg4[%add3A_38, %dma_start3A_46] : memref<819200x64xf32, #tpu.memory_space<hbm>> -> memref<512x64xf32, #tpu.memory_space<hbm>>
    %dma_start3A_48 = arith.constant 0 : i32
    %dma_start3A_49 = arith.constant 0 : i32
    %dma_start3A_50 = tpu.memref_slice %arg6[%dma_start3A_39, %dma_start3A_48, %dma_start3A_49] : memref<3x512x64xf32, #tpu.memory_space<vmem>> -> memref<1x512x64xf32, #tpu.memory_space<vmem>>
    %dma_start3A_51 = tpu.memref_squeeze %dma_start3A_50 : memref<1x512x64xf32, #tpu.memory_space<vmem>> -> memref<512x64xf32, #tpu.memory_space<vmem>>
    tpu.enqueue_dma source(%dma_start3A_51 : memref<512x64xf32, #tpu.memory_space<vmem>>) target(%dma_start3A_47 : memref<512x64xf32, #tpu.memory_space<hbm>>) target_semaphore(%arg10 : memref<!tpu.dma_semaphore, #tpu.memory_space<semaphore_mem>>)
    %dma_start3A_52 = arith.constant 2 : i32
    %dma_start3A_53 = arith.constant 2 : i32
    %dma_start3A_54 = arith.constant 0 : i32
    %dma_start3A_55 = arith.constant 0 : i32
    %dma_start3A_56 = tpu.memref_slice %arg6[%dma_start3A_53, %dma_start3A_54, %dma_start3A_55] : memref<3x512x64xf32, #tpu.memory_space<vmem>> -> memref<1x512x64xf32, #tpu.memory_space<vmem>>
    %dma_start3A_57 = tpu.memref_squeeze %dma_start3A_56 : memref<1x512x64xf32, #tpu.memory_space<vmem>> -> memref<512x64xf32, #tpu.memory_space<vmem>>
    %dma_start3A_58 = arith.constant 0 : i32
    %dma_start3A_59 = tpu.memref_slice %arg5[%dma_start3A_52, %dma_start3A_58] : memref<50x512xi32, #tpu.memory_space<vmem>> -> memref<1x512xi32, #tpu.memory_space<vmem>>
    %dma_start3A_60 = tpu.memref_squeeze %dma_start3A_59 : memref<1x512xi32, #tpu.memory_space<vmem>> -> memref<512xi32, #tpu.memory_space<vmem>>
    %dma_start3A_61 = arith.constant 0 : i32
    %dma_start3A_62 = arith.constant 0 : i32
    %dma_start3A_63 = tpu.memref_slice %arg3[%dma_start3A_61, %dma_start3A_62] : memref<1000000x64xf32, #tpu.memory_space<hbm>> -> memref<1000000x64xf32, #tpu.memory_space<hbm>>
    tpu.enqueue_indirect_dma source(%dma_start3A_63 : memref<1000000x64xf32, #tpu.memory_space<hbm>>) target(%dma_start3A_57 : memref<512x64xf32, #tpu.memory_space<vmem>>) offsets(%dma_start3A_60 : memref<512xi32, #tpu.memory_space<vmem>>) semaphore(%arg9 : memref<!tpu.dma_semaphore, #tpu.memory_space<semaphore_mem>>)
    %scan3A = arith.constant 0 : i32
    %scan3A_64 = arith.constant 15 : i32
    %scan3A_65 = arith.addi %scan3A, %scan3A_64 : i32
    %scan3A_66 = arith.constant 1 : i32
    scf.for %scan3A_275 = %scan3A to %scan3A_65 step %scan3A_66  : i32 {
      %mul3A_276 = arith.constant 3 : i32
      %mul3A_277 = arith.muli %mul3A_276, %scan3A_275 : i32
      %add3A_278 = arith.constant 1 : i32
      %add3A_279 = arith.addi %mul3A_277, %add3A_278 : i32
      %add3A_280 = arith.constant 0 : i32
      %add3A_281 = arith.addi %add3A_279, %add3A_280 : i32
      %mul3A_282 = arith.constant 1 : i32
      %mul3A_283 = arith.muli %add3A_281, %mul3A_282 : i32
      %add3A_284 = arith.constant 0 : i32
      %add3A_285 = arith.addi %mul3A_283, %add3A_284 : i32
      %dma_wait3A_286 = arith.constant 1 : i32
      %dma_wait3A_287 = arith.constant 0 : i32
      %dma_wait3A_288 = arith.constant 0 : i32
      %dma_wait3A_289 = tpu.memref_slice %arg6[%dma_wait3A_286, %dma_wait3A_287, %dma_wait3A_288] : memref<3x512x64xf32, #tpu.memory_space<vmem>> -> memref<1x512x64xf32, #tpu.memory_space<vmem>>
      %dma_wait3A_290 = tpu.memref_squeeze %dma_wait3A_289 : memref<1x512x64xf32, #tpu.memory_space<vmem>> -> memref<512x64xf32, #tpu.memory_space<vmem>>
      %dma_wait3A_291 = arith.constant 0 : i32
      %dma_wait3A_292 = tpu.memref_slice %arg5[%add3A_285, %dma_wait3A_291] : memref<50x512xi32, #tpu.memory_space<vmem>> -> memref<1x512xi32, #tpu.memory_space<vmem>>
      %dma_wait3A_293 = tpu.memref_squeeze %dma_wait3A_292 : memref<1x512xi32, #tpu.memory_space<vmem>> -> memref<512xi32, #tpu.memory_space<vmem>>
      %dma_wait3A_294 = arith.constant 0 : i32
      %dma_wait3A_295 = arith.constant 0 : i32
      %dma_wait3A_296 = tpu.memref_slice %arg3[%dma_wait3A_294, %dma_wait3A_295] : memref<1000000x64xf32, #tpu.memory_space<hbm>> -> memref<1000000x64xf32, #tpu.memory_space<hbm>>
      tpu.wait_indirect_dma semaphore(%arg8 : memref<!tpu.dma_semaphore, #tpu.memory_space<semaphore_mem>>) src(%dma_wait3A_296 : memref<1000000x64xf32, #tpu.memory_space<hbm>>) dst(%dma_wait3A_290 : memref<512x64xf32, #tpu.memory_space<vmem>>)
      %mul3A_297 = arith.constant 1 : i32
      %mul3A_298 = arith.muli %add3A_281, %mul3A_297 : i32
      %mul3A_299 = arith.constant 512 : i32
      %mul3A_300 = arith.muli %mul3A_298, %mul3A_299 : i32
      %add3A_301 = arith.addi %mul3A_2, %mul3A_300 : i32
      %dma_start3A_302 = arith.constant 1 : i32
      %dma_start3A_303 = arith.constant 0 : i32
      %dma_start3A_304 = arith.constant 0 : i32
      %dma_start3A_305 = tpu.memref_slice %arg6[%dma_start3A_302, %dma_start3A_303, %dma_start3A_304] : memref<3x512x64xf32, #tpu.memory_space<vmem>> -> memref<1x512x64xf32, #tpu.memory_space<vmem>>
      %dma_start3A_306 = tpu.memref_squeeze %dma_start3A_305 : memref<1x512x64xf32, #tpu.memory_space<vmem>> -> memref<512x64xf32, #tpu.memory_space<vmem>>
      %dma_start3A_307 = arith.constant 0 : i32
      %dma_start3A_308 = tpu.memref_slice %arg4[%add3A_301, %dma_start3A_307] : memref<819200x64xf32, #tpu.memory_space<hbm>> -> memref<512x64xf32, #tpu.memory_space<hbm>>
      %dma_start3A_309 = arith.constant 0 : i32
      %dma_start3A_310 = tpu.memref_slice %arg4[%add3A_301, %dma_start3A_309] : memref<819200x64xf32, #tpu.memory_space<hbm>> -> memref<512x64xf32, #tpu.memory_space<hbm>>
      %dma_start3A_311 = arith.constant 0 : i32
      %dma_start3A_312 = arith.constant 0 : i32
      %dma_start3A_313 = tpu.memref_slice %arg6[%dma_start3A_302, %dma_start3A_311, %dma_start3A_312] : memref<3x512x64xf32, #tpu.memory_space<vmem>> -> memref<1x512x64xf32, #tpu.memory_space<vmem>>
      %dma_start3A_314 = tpu.memref_squeeze %dma_start3A_313 : memref<1x512x64xf32, #tpu.memory_space<vmem>> -> memref<512x64xf32, #tpu.memory_space<vmem>>
      tpu.enqueue_dma source(%dma_start3A_314 : memref<512x64xf32, #tpu.memory_space<vmem>>) target(%dma_start3A_310 : memref<512x64xf32, #tpu.memory_space<hbm>>) target_semaphore(%arg11 : memref<!tpu.dma_semaphore, #tpu.memory_space<semaphore_mem>>)
      %sub3A = arith.constant 1 : i32
      %sub3A_315 = arith.subi %add3A_281, %sub3A : i32
      %mul3A_316 = arith.constant 1 : i32
      %mul3A_317 = arith.muli %sub3A_315, %mul3A_316 : i32
      %mul3A_318 = arith.constant 512 : i32
      %mul3A_319 = arith.muli %mul3A_317, %mul3A_318 : i32
      %add3A_320 = arith.addi %mul3A_2, %mul3A_319 : i32
      %dma_wait3A_321 = arith.constant 0 : i32
      %dma_wait3A_322 = arith.constant 0 : i32
      %dma_wait3A_323 = arith.constant 0 : i32
      %dma_wait3A_324 = tpu.memref_slice %arg6[%dma_wait3A_321, %dma_wait3A_322, %dma_wait3A_323] : memref<3x512x64xf32, #tpu.memory_space<vmem>> -> memref<1x512x64xf32, #tpu.memory_space<vmem>>
      %dma_wait3A_325 = tpu.memref_squeeze %dma_wait3A_324 : memref<1x512x64xf32, #tpu.memory_space<vmem>> -> memref<512x64xf32, #tpu.memory_space<vmem>>
      %dma_wait3A_326 = arith.constant 0 : i32
      %dma_wait3A_327 = tpu.memref_slice %arg4[%add3A_320, %dma_wait3A_326] : memref<819200x64xf32, #tpu.memory_space<hbm>> -> memref<512x64xf32, #tpu.memory_space<hbm>>
      %dma_wait3A_328 = arith.constant 0 : i32
      %dma_wait3A_329 = tpu.memref_slice %arg4[%add3A_320, %dma_wait3A_328] : memref<819200x64xf32, #tpu.memory_space<hbm>> -> memref<512x64xf32, #tpu.memory_space<hbm>>
      %dma_wait3A_330 = arith.constant 0 : i32
      %dma_wait3A_331 = arith.constant 0 : i32
      %dma_wait3A_332 = tpu.memref_slice %arg6[%dma_wait3A_321, %dma_wait3A_330, %dma_wait3A_331] : memref<3x512x64xf32, #tpu.memory_space<vmem>> -> memref<1x512x64xf32, #tpu.memory_space<vmem>>
      %dma_wait3A_333 = tpu.memref_squeeze %dma_wait3A_332 : memref<1x512x64xf32, #tpu.memory_space<vmem>> -> memref<512x64xf32, #tpu.memory_space<vmem>>
      tpu.wait_dma2 semaphore(%arg10 : memref<!tpu.dma_semaphore, #tpu.memory_space<semaphore_mem>>) src(%dma_wait3A_333 : memref<512x64xf32, #tpu.memory_space<vmem>>) dst(%dma_wait3A_329 : memref<512x64xf32, #tpu.memory_space<hbm>>)
      %add3A_334 = arith.constant 2 : i32
      %add3A_335 = arith.addi %add3A_281, %add3A_334 : i32
      %mul3A_336 = arith.constant 1 : i32
      %mul3A_337 = arith.muli %add3A_335, %mul3A_336 : i32
      %add3A_338 = arith.constant 0 : i32
      %add3A_339 = arith.addi %mul3A_337, %add3A_338 : i32
      %dma_start3A_340 = arith.constant 0 : i32
      %dma_start3A_341 = arith.constant 0 : i32
      %dma_start3A_342 = arith.constant 0 : i32
      %dma_start3A_343 = tpu.memref_slice %arg6[%dma_start3A_340, %dma_start3A_341, %dma_start3A_342] : memref<3x512x64xf32, #tpu.memory_space<vmem>> -> memref<1x512x64xf32, #tpu.memory_space<vmem>>
      %dma_start3A_344 = tpu.memref_squeeze %dma_start3A_343 : memref<1x512x64xf32, #tpu.memory_space<vmem>> -> memref<512x64xf32, #tpu.memory_space<vmem>>
      %dma_start3A_345 = arith.constant 0 : i32
      %dma_start3A_346 = tpu.memref_slice %arg5[%add3A_339, %dma_start3A_345] : memref<50x512xi32, #tpu.memory_space<vmem>> -> memref<1x512xi32, #tpu.memory_space<vmem>>
      %dma_start3A_347 = tpu.memref_squeeze %dma_start3A_346 : memref<1x512xi32, #tpu.memory_space<vmem>> -> memref<512xi32, #tpu.memory_space<vmem>>
      %dma_start3A_348 = arith.constant 0 : i32
      %dma_start3A_349 = arith.constant 0 : i32
      %dma_start3A_350 = tpu.memref_slice %arg3[%dma_start3A_348, %dma_start3A_349] : memref<1000000x64xf32, #tpu.memory_space<hbm>> -> memref<1000000x64xf32, #tpu.memory_space<hbm>>
      tpu.enqueue_indirect_dma source(%dma_start3A_350 : memref<1000000x64xf32, #tpu.memory_space<hbm>>) target(%dma_start3A_344 : memref<512x64xf32, #tpu.memory_space<vmem>>) offsets(%dma_start3A_347 : memref<512xi32, #tpu.memory_space<vmem>>) semaphore(%arg7 : memref<!tpu.dma_semaphore, #tpu.memory_space<semaphore_mem>>)
      %add3A_351 = arith.constant 1 : i32
      %add3A_352 = arith.addi %add3A_279, %add3A_351 : i32
      %mul3A_353 = arith.constant 1 : i32
      %mul3A_354 = arith.muli %add3A_352, %mul3A_353 : i32
      %add3A_355 = arith.constant 0 : i32
      %add3A_356 = arith.addi %mul3A_354, %add3A_355 : i32
      %dma_wait3A_357 = arith.constant 2 : i32
      %dma_wait3A_358 = arith.constant 0 : i32
      %dma_wait3A_359 = arith.constant 0 : i32
      %dma_wait3A_360 = tpu.memref_slice %arg6[%dma_wait3A_357, %dma_wait3A_358, %dma_wait3A_359] : memref<3x512x64xf32, #tpu.memory_space<vmem>> -> memref<1x512x64xf32, #tpu.memory_space<vmem>>
      %dma_wait3A_361 = tpu.memref_squeeze %dma_wait3A_360 : memref<1x512x64xf32, #tpu.memory_space<vmem>> -> memref<512x64xf32, #tpu.memory_space<vmem>>
      %dma_wait3A_362 = arith.constant 0 : i32
      %dma_wait3A_363 = tpu.memref_slice %arg5[%add3A_356, %dma_wait3A_362] : memref<50x512xi32, #tpu.memory_space<vmem>> -> memref<1x512xi32, #tpu.memory_space<vmem>>
      %dma_wait3A_364 = tpu.memref_squeeze %dma_wait3A_363 : memref<1x512xi32, #tpu.memory_space<vmem>> -> memref<512xi32, #tpu.memory_space<vmem>>
      %dma_wait3A_365 = arith.constant 0 : i32
      %dma_wait3A_366 = arith.constant 0 : i32
      %dma_wait3A_367 = tpu.memref_slice %arg3[%dma_wait3A_365, %dma_wait3A_366] : memref<1000000x64xf32, #tpu.memory_space<hbm>> -> memref<1000000x64xf32, #tpu.memory_space<hbm>>
      tpu.wait_indirect_dma semaphore(%arg9 : memref<!tpu.dma_semaphore, #tpu.memory_space<semaphore_mem>>) src(%dma_wait3A_367 : memref<1000000x64xf32, #tpu.memory_space<hbm>>) dst(%dma_wait3A_361 : memref<512x64xf32, #tpu.memory_space<vmem>>)
      %mul3A_368 = arith.constant 1 : i32
      %mul3A_369 = arith.muli %add3A_352, %mul3A_368 : i32
      %mul3A_370 = arith.constant 512 : i32
      %mul3A_371 = arith.muli %mul3A_369, %mul3A_370 : i32
      %add3A_372 = arith.addi %mul3A_2, %mul3A_371 : i32
      %dma_start3A_373 = arith.constant 2 : i32
      %dma_start3A_374 = arith.constant 0 : i32
      %dma_start3A_375 = arith.constant 0 : i32
      %dma_start3A_376 = tpu.memref_slice %arg6[%dma_start3A_373, %dma_start3A_374, %dma_start3A_375] : memref<3x512x64xf32, #tpu.memory_space<vmem>> -> memref<1x512x64xf32, #tpu.memory_space<vmem>>
      %dma_start3A_377 = tpu.memref_squeeze %dma_start3A_376 : memref<1x512x64xf32, #tpu.memory_space<vmem>> -> memref<512x64xf32, #tpu.memory_space<vmem>>
      %dma_start3A_378 = arith.constant 0 : i32
      %dma_start3A_379 = tpu.memref_slice %arg4[%add3A_372, %dma_start3A_378] : memref<819200x64xf32, #tpu.memory_space<hbm>> -> memref<512x64xf32, #tpu.memory_space<hbm>>
      %dma_start3A_380 = arith.constant 0 : i32
      %dma_start3A_381 = tpu.memref_slice %arg4[%add3A_372, %dma_start3A_380] : memref<819200x64xf32, #tpu.memory_space<hbm>> -> memref<512x64xf32, #tpu.memory_space<hbm>>
      %dma_start3A_382 = arith.constant 0 : i32
      %dma_start3A_383 = arith.constant 0 : i32
      %dma_start3A_384 = tpu.memref_slice %arg6[%dma_start3A_373, %dma_start3A_382, %dma_start3A_383] : memref<3x512x64xf32, #tpu.memory_space<vmem>> -> memref<1x512x64xf32, #tpu.memory_space<vmem>>
      %dma_start3A_385 = tpu.memref_squeeze %dma_start3A_384 : memref<1x512x64xf32, #tpu.memory_space<vmem>> -> memref<512x64xf32, #tpu.memory_space<vmem>>
      tpu.enqueue_dma source(%dma_start3A_385 : memref<512x64xf32, #tpu.memory_space<vmem>>) target(%dma_start3A_381 : memref<512x64xf32, #tpu.memory_space<hbm>>) target_semaphore(%arg12 : memref<!tpu.dma_semaphore, #tpu.memory_space<semaphore_mem>>)
      %sub3A_386 = arith.constant 1 : i32
      %sub3A_387 = arith.subi %add3A_352, %sub3A_386 : i32
      %mul3A_388 = arith.constant 1 : i32
      %mul3A_389 = arith.muli %sub3A_387, %mul3A_388 : i32
      %mul3A_390 = arith.constant 512 : i32
      %mul3A_391 = arith.muli %mul3A_389, %mul3A_390 : i32
      %add3A_392 = arith.addi %mul3A_2, %mul3A_391 : i32
      %dma_wait3A_393 = arith.constant 1 : i32
      %dma_wait3A_394 = arith.constant 0 : i32
      %dma_wait3A_395 = arith.constant 0 : i32
      %dma_wait3A_396 = tpu.memref_slice %arg6[%dma_wait3A_393, %dma_wait3A_394, %dma_wait3A_395] : memref<3x512x64xf32, #tpu.memory_space<vmem>> -> memref<1x512x64xf32, #tpu.memory_space<vmem>>
      %dma_wait3A_397 = tpu.memref_squeeze %dma_wait3A_396 : memref<1x512x64xf32, #tpu.memory_space<vmem>> -> memref<512x64xf32, #tpu.memory_space<vmem>>
      %dma_wait3A_398 = arith.constant 0 : i32
      %dma_wait3A_399 = tpu.memref_slice %arg4[%add3A_392, %dma_wait3A_398] : memref<819200x64xf32, #tpu.memory_space<hbm>> -> memref<512x64xf32, #tpu.memory_space<hbm>>
      %dma_wait3A_400 = arith.constant 0 : i32
      %dma_wait3A_401 = tpu.memref_slice %arg4[%add3A_392, %dma_wait3A_400] : memref<819200x64xf32, #tpu.memory_space<hbm>> -> memref<512x64xf32, #tpu.memory_space<hbm>>
      %dma_wait3A_402 = arith.constant 0 : i32
      %dma_wait3A_403 = arith.constant 0 : i32
      %dma_wait3A_404 = tpu.memref_slice %arg6[%dma_wait3A_393, %dma_wait3A_402, %dma_wait3A_403] : memref<3x512x64xf32, #tpu.memory_space<vmem>> -> memref<1x512x64xf32, #tpu.memory_space<vmem>>
      %dma_wait3A_405 = tpu.memref_squeeze %dma_wait3A_404 : memref<1x512x64xf32, #tpu.memory_space<vmem>> -> memref<512x64xf32, #tpu.memory_space<vmem>>
      tpu.wait_dma2 semaphore(%arg11 : memref<!tpu.dma_semaphore, #tpu.memory_space<semaphore_mem>>) src(%dma_wait3A_405 : memref<512x64xf32, #tpu.memory_space<vmem>>) dst(%dma_wait3A_401 : memref<512x64xf32, #tpu.memory_space<hbm>>)
      %add3A_406 = arith.constant 2 : i32
      %add3A_407 = arith.addi %add3A_352, %add3A_406 : i32
      %mul3A_408 = arith.constant 1 : i32
      %mul3A_409 = arith.muli %add3A_407, %mul3A_408 : i32
      %add3A_410 = arith.constant 0 : i32
      %add3A_411 = arith.addi %mul3A_409, %add3A_410 : i32
      %dma_start3A_412 = arith.constant 1 : i32
      %dma_start3A_413 = arith.constant 0 : i32
      %dma_start3A_414 = arith.constant 0 : i32
      %dma_start3A_415 = tpu.memref_slice %arg6[%dma_start3A_412, %dma_start3A_413, %dma_start3A_414] : memref<3x512x64xf32, #tpu.memory_space<vmem>> -> memref<1x512x64xf32, #tpu.memory_space<vmem>>
      %dma_start3A_416 = tpu.memref_squeeze %dma_start3A_415 : memref<1x512x64xf32, #tpu.memory_space<vmem>> -> memref<512x64xf32, #tpu.memory_space<vmem>>
      %dma_start3A_417 = arith.constant 0 : i32
      %dma_start3A_418 = tpu.memref_slice %arg5[%add3A_411, %dma_start3A_417] : memref<50x512xi32, #tpu.memory_space<vmem>> -> memref<1x512xi32, #tpu.memory_space<vmem>>
      %dma_start3A_419 = tpu.memref_squeeze %dma_start3A_418 : memref<1x512xi32, #tpu.memory_space<vmem>> -> memref<512xi32, #tpu.memory_space<vmem>>
      %dma_start3A_420 = arith.constant 0 : i32
      %dma_start3A_421 = arith.constant 0 : i32
      %dma_start3A_422 = tpu.memref_slice %arg3[%dma_start3A_420, %dma_start3A_421] : memref<1000000x64xf32, #tpu.memory_space<hbm>> -> memref<1000000x64xf32, #tpu.memory_space<hbm>>
      tpu.enqueue_indirect_dma source(%dma_start3A_422 : memref<1000000x64xf32, #tpu.memory_space<hbm>>) target(%dma_start3A_416 : memref<512x64xf32, #tpu.memory_space<vmem>>) offsets(%dma_start3A_419 : memref<512xi32, #tpu.memory_space<vmem>>) semaphore(%arg8 : memref<!tpu.dma_semaphore, #tpu.memory_space<semaphore_mem>>)
      %add3A_423 = arith.constant 2 : i32
      %add3A_424 = arith.addi %add3A_279, %add3A_423 : i32
      %mul3A_425 = arith.constant 1 : i32
      %mul3A_426 = arith.muli %add3A_424, %mul3A_425 : i32
      %add3A_427 = arith.constant 0 : i32
      %add3A_428 = arith.addi %mul3A_426, %add3A_427 : i32
      %dma_wait3A_429 = arith.constant 0 : i32
      %dma_wait3A_430 = arith.constant 0 : i32
      %dma_wait3A_431 = arith.constant 0 : i32
      %dma_wait3A_432 = tpu.memref_slice %arg6[%dma_wait3A_429, %dma_wait3A_430, %dma_wait3A_431] : memref<3x512x64xf32, #tpu.memory_space<vmem>> -> memref<1x512x64xf32, #tpu.memory_space<vmem>>
      %dma_wait3A_433 = tpu.memref_squeeze %dma_wait3A_432 : memref<1x512x64xf32, #tpu.memory_space<vmem>> -> memref<512x64xf32, #tpu.memory_space<vmem>>
      %dma_wait3A_434 = arith.constant 0 : i32
      %dma_wait3A_435 = tpu.memref_slice %arg5[%add3A_428, %dma_wait3A_434] : memref<50x512xi32, #tpu.memory_space<vmem>> -> memref<1x512xi32, #tpu.memory_space<vmem>>
      %dma_wait3A_436 = tpu.memref_squeeze %dma_wait3A_435 : memref<1x512xi32, #tpu.memory_space<vmem>> -> memref<512xi32, #tpu.memory_space<vmem>>
      %dma_wait3A_437 = arith.constant 0 : i32
      %dma_wait3A_438 = arith.constant 0 : i32
      %dma_wait3A_439 = tpu.memref_slice %arg3[%dma_wait3A_437, %dma_wait3A_438] : memref<1000000x64xf32, #tpu.memory_space<hbm>> -> memref<1000000x64xf32, #tpu.memory_space<hbm>>
      tpu.wait_indirect_dma semaphore(%arg7 : memref<!tpu.dma_semaphore, #tpu.memory_space<semaphore_mem>>) src(%dma_wait3A_439 : memref<1000000x64xf32, #tpu.memory_space<hbm>>) dst(%dma_wait3A_433 : memref<512x64xf32, #tpu.memory_space<vmem>>)
      %mul3A_440 = arith.constant 1 : i32
      %mul3A_441 = arith.muli %add3A_424, %mul3A_440 : i32
      %mul3A_442 = arith.constant 512 : i32
      %mul3A_443 = arith.muli %mul3A_441, %mul3A_442 : i32
      %add3A_444 = arith.addi %mul3A_2, %mul3A_443 : i32
      %dma_start3A_445 = arith.constant 0 : i32
      %dma_start3A_446 = arith.constant 0 : i32
      %dma_start3A_447 = arith.constant 0 : i32
      %dma_start3A_448 = tpu.memref_slice %arg6[%dma_start3A_445, %dma_start3A_446, %dma_start3A_447] : memref<3x512x64xf32, #tpu.memory_space<vmem>> -> memref<1x512x64xf32, #tpu.memory_space<vmem>>
      %dma_start3A_449 = tpu.memref_squeeze %dma_start3A_448 : memref<1x512x64xf32, #tpu.memory_space<vmem>> -> memref<512x64xf32, #tpu.memory_space<vmem>>
      %dma_start3A_450 = arith.constant 0 : i32
      %dma_start3A_451 = tpu.memref_slice %arg4[%add3A_444, %dma_start3A_450] : memref<819200x64xf32, #tpu.memory_space<hbm>> -> memref<512x64xf32, #tpu.memory_space<hbm>>
      %dma_start3A_452 = arith.constant 0 : i32
      %dma_start3A_453 = tpu.memref_slice %arg4[%add3A_444, %dma_start3A_452] : memref<819200x64xf32, #tpu.memory_space<hbm>> -> memref<512x64xf32, #tpu.memory_space<hbm>>
      %dma_start3A_454 = arith.constant 0 : i32
      %dma_start3A_455 = arith.constant 0 : i32
      %dma_start3A_456 = tpu.memref_slice %arg6[%dma_start3A_445, %dma_start3A_454, %dma_start3A_455] : memref<3x512x64xf32, #tpu.memory_space<vmem>> -> memref<1x512x64xf32, #tpu.memory_space<vmem>>
      %dma_start3A_457 = tpu.memref_squeeze %dma_start3A_456 : memref<1x512x64xf32, #tpu.memory_space<vmem>> -> memref<512x64xf32, #tpu.memory_space<vmem>>
      tpu.enqueue_dma source(%dma_start3A_457 : memref<512x64xf32, #tpu.memory_space<vmem>>) target(%dma_start3A_453 : memref<512x64xf32, #tpu.memory_space<hbm>>) target_semaphore(%arg10 : memref<!tpu.dma_semaphore, #tpu.memory_space<semaphore_mem>>)
      %sub3A_458 = arith.constant 1 : i32
      %sub3A_459 = arith.subi %add3A_424, %sub3A_458 : i32
      %mul3A_460 = arith.constant 1 : i32
      %mul3A_461 = arith.muli %sub3A_459, %mul3A_460 : i32
      %mul3A_462 = arith.constant 512 : i32
      %mul3A_463 = arith.muli %mul3A_461, %mul3A_462 : i32
      %add3A_464 = arith.addi %mul3A_2, %mul3A_463 : i32
      %dma_wait3A_465 = arith.constant 2 : i32
      %dma_wait3A_466 = arith.constant 0 : i32
      %dma_wait3A_467 = arith.constant 0 : i32
      %dma_wait3A_468 = tpu.memref_slice %arg6[%dma_wait3A_465, %dma_wait3A_466, %dma_wait3A_467] : memref<3x512x64xf32, #tpu.memory_space<vmem>> -> memref<1x512x64xf32, #tpu.memory_space<vmem>>
      %dma_wait3A_469 = tpu.memref_squeeze %dma_wait3A_468 : memref<1x512x64xf32, #tpu.memory_space<vmem>> -> memref<512x64xf32, #tpu.memory_space<vmem>>
      %dma_wait3A_470 = arith.constant 0 : i32
      %dma_wait3A_471 = tpu.memref_slice %arg4[%add3A_464, %dma_wait3A_470] : memref<819200x64xf32, #tpu.memory_space<hbm>> -> memref<512x64xf32, #tpu.memory_space<hbm>>
      %dma_wait3A_472 = arith.constant 0 : i32
      %dma_wait3A_473 = tpu.memref_slice %arg4[%add3A_464, %dma_wait3A_472] : memref<819200x64xf32, #tpu.memory_space<hbm>> -> memref<512x64xf32, #tpu.memory_space<hbm>>
      %dma_wait3A_474 = arith.constant 0 : i32
      %dma_wait3A_475 = arith.constant 0 : i32
      %dma_wait3A_476 = tpu.memref_slice %arg6[%dma_wait3A_465, %dma_wait3A_474, %dma_wait3A_475] : memref<3x512x64xf32, #tpu.memory_space<vmem>> -> memref<1x512x64xf32, #tpu.memory_space<vmem>>
      %dma_wait3A_477 = tpu.memref_squeeze %dma_wait3A_476 : memref<1x512x64xf32, #tpu.memory_space<vmem>> -> memref<512x64xf32, #tpu.memory_space<vmem>>
      tpu.wait_dma2 semaphore(%arg12 : memref<!tpu.dma_semaphore, #tpu.memory_space<semaphore_mem>>) src(%dma_wait3A_477 : memref<512x64xf32, #tpu.memory_space<vmem>>) dst(%dma_wait3A_473 : memref<512x64xf32, #tpu.memory_space<hbm>>)
      %add3A_478 = arith.constant 2 : i32
      %add3A_479 = arith.addi %add3A_424, %add3A_478 : i32
      %mul3A_480 = arith.constant 1 : i32
      %mul3A_481 = arith.muli %add3A_479, %mul3A_480 : i32
      %add3A_482 = arith.constant 0 : i32
      %add3A_483 = arith.addi %mul3A_481, %add3A_482 : i32
      %dma_start3A_484 = arith.constant 2 : i32
      %dma_start3A_485 = arith.constant 0 : i32
      %dma_start3A_486 = arith.constant 0 : i32
      %dma_start3A_487 = tpu.memref_slice %arg6[%dma_start3A_484, %dma_start3A_485, %dma_start3A_486] : memref<3x512x64xf32, #tpu.memory_space<vmem>> -> memref<1x512x64xf32, #tpu.memory_space<vmem>>
      %dma_start3A_488 = tpu.memref_squeeze %dma_start3A_487 : memref<1x512x64xf32, #tpu.memory_space<vmem>> -> memref<512x64xf32, #tpu.memory_space<vmem>>
      %dma_start3A_489 = arith.constant 0 : i32
      %dma_start3A_490 = tpu.memref_slice %arg5[%add3A_483, %dma_start3A_489] : memref<50x512xi32, #tpu.memory_space<vmem>> -> memref<1x512xi32, #tpu.memory_space<vmem>>
      %dma_start3A_491 = tpu.memref_squeeze %dma_start3A_490 : memref<1x512xi32, #tpu.memory_space<vmem>> -> memref<512xi32, #tpu.memory_space<vmem>>
      %dma_start3A_492 = arith.constant 0 : i32
      %dma_start3A_493 = arith.constant 0 : i32
      %dma_start3A_494 = tpu.memref_slice %arg3[%dma_start3A_492, %dma_start3A_493] : memref<1000000x64xf32, #tpu.memory_space<hbm>> -> memref<1000000x64xf32, #tpu.memory_space<hbm>>
      tpu.enqueue_indirect_dma source(%dma_start3A_494 : memref<1000000x64xf32, #tpu.memory_space<hbm>>) target(%dma_start3A_488 : memref<512x64xf32, #tpu.memory_space<vmem>>) offsets(%dma_start3A_491 : memref<512xi32, #tpu.memory_space<vmem>>) semaphore(%arg9 : memref<!tpu.dma_semaphore, #tpu.memory_space<semaphore_mem>>)
    }
    %scan3A_67 = arith.constant 15 : i32
    %dma_wait3A_68 = arith.constant 46 : i32
    %dma_wait3A_69 = arith.constant 1 : i32
    %dma_wait3A_70 = arith.constant 0 : i32
    %dma_wait3A_71 = arith.constant 0 : i32
    %dma_wait3A_72 = tpu.memref_slice %arg6[%dma_wait3A_69, %dma_wait3A_70, %dma_wait3A_71] : memref<3x512x64xf32, #tpu.memory_space<vmem>> -> memref<1x512x64xf32, #tpu.memory_space<vmem>>
    %dma_wait3A_73 = tpu.memref_squeeze %dma_wait3A_72 : memref<1x512x64xf32, #tpu.memory_space<vmem>> -> memref<512x64xf32, #tpu.memory_space<vmem>>
    %dma_wait3A_74 = arith.constant 0 : i32
    %dma_wait3A_75 = tpu.memref_slice %arg5[%dma_wait3A_68, %dma_wait3A_74] : memref<50x512xi32, #tpu.memory_space<vmem>> -> memref<1x512xi32, #tpu.memory_space<vmem>>
    %dma_wait3A_76 = tpu.memref_squeeze %dma_wait3A_75 : memref<1x512xi32, #tpu.memory_space<vmem>> -> memref<512xi32, #tpu.memory_space<vmem>>
    %dma_wait3A_77 = arith.constant 0 : i32
    %dma_wait3A_78 = arith.constant 0 : i32
    %dma_wait3A_79 = tpu.memref_slice %arg3[%dma_wait3A_77, %dma_wait3A_78] : memref<1000000x64xf32, #tpu.memory_space<hbm>> -> memref<1000000x64xf32, #tpu.memory_space<hbm>>
    tpu.wait_indirect_dma semaphore(%arg8 : memref<!tpu.dma_semaphore, #tpu.memory_space<semaphore_mem>>) src(%dma_wait3A_79 : memref<1000000x64xf32, #tpu.memory_space<hbm>>) dst(%dma_wait3A_73 : memref<512x64xf32, #tpu.memory_space<vmem>>)
    %add3A_80 = arith.constant 23552 : i32
    %add3A_81 = arith.addi %mul3A_2, %add3A_80 : i32
    %dma_start3A_82 = arith.constant 1 : i32
    %dma_start3A_83 = arith.constant 0 : i32
    %dma_start3A_84 = arith.constant 0 : i32
    %dma_start3A_85 = tpu.memref_slice %arg6[%dma_start3A_82, %dma_start3A_83, %dma_start3A_84] : memref<3x512x64xf32, #tpu.memory_space<vmem>> -> memref<1x512x64xf32, #tpu.memory_space<vmem>>
    %dma_start3A_86 = tpu.memref_squeeze %dma_start3A_85 : memref<1x512x64xf32, #tpu.memory_space<vmem>> -> memref<512x64xf32, #tpu.memory_space<vmem>>
    %dma_start3A_87 = arith.constant 0 : i32
    %dma_start3A_88 = tpu.memref_slice %arg4[%add3A_81, %dma_start3A_87] : memref<819200x64xf32, #tpu.memory_space<hbm>> -> memref<512x64xf32, #tpu.memory_space<hbm>>
    %dma_start3A_89 = arith.constant 0 : i32
    %dma_start3A_90 = tpu.memref_slice %arg4[%add3A_81, %dma_start3A_89] : memref<819200x64xf32, #tpu.memory_space<hbm>> -> memref<512x64xf32, #tpu.memory_space<hbm>>
    %dma_start3A_91 = arith.constant 0 : i32
    %dma_start3A_92 = arith.constant 0 : i32
    %dma_start3A_93 = tpu.memref_slice %arg6[%dma_start3A_82, %dma_start3A_91, %dma_start3A_92] : memref<3x512x64xf32, #tpu.memory_space<vmem>> -> memref<1x512x64xf32, #tpu.memory_space<vmem>>
    %dma_start3A_94 = tpu.memref_squeeze %dma_start3A_93 : memref<1x512x64xf32, #tpu.memory_space<vmem>> -> memref<512x64xf32, #tpu.memory_space<vmem>>
    tpu.enqueue_dma source(%dma_start3A_94 : memref<512x64xf32, #tpu.memory_space<vmem>>) target(%dma_start3A_90 : memref<512x64xf32, #tpu.memory_space<hbm>>) target_semaphore(%arg11 : memref<!tpu.dma_semaphore, #tpu.memory_space<semaphore_mem>>)
    %add3A_95 = arith.constant 23040 : i32
    %add3A_96 = arith.addi %mul3A_2, %add3A_95 : i32
    %dma_wait3A_97 = arith.constant 0 : i32
    %dma_wait3A_98 = arith.constant 0 : i32
    %dma_wait3A_99 = arith.constant 0 : i32
    %dma_wait3A_100 = tpu.memref_slice %arg6[%dma_wait3A_97, %dma_wait3A_98, %dma_wait3A_99] : memref<3x512x64xf32, #tpu.memory_space<vmem>> -> memref<1x512x64xf32, #tpu.memory_space<vmem>>
    %dma_wait3A_101 = tpu.memref_squeeze %dma_wait3A_100 : memref<1x512x64xf32, #tpu.memory_space<vmem>> -> memref<512x64xf32, #tpu.memory_space<vmem>>
    %dma_wait3A_102 = arith.constant 0 : i32
    %dma_wait3A_103 = tpu.memref_slice %arg4[%add3A_96, %dma_wait3A_102] : memref<819200x64xf32, #tpu.memory_space<hbm>> -> memref<512x64xf32, #tpu.memory_space<hbm>>
    %dma_wait3A_104 = arith.constant 0 : i32
    %dma_wait3A_105 = tpu.memref_slice %arg4[%add3A_96, %dma_wait3A_104] : memref<819200x64xf32, #tpu.memory_space<hbm>> -> memref<512x64xf32, #tpu.memory_space<hbm>>
    %dma_wait3A_106 = arith.constant 0 : i32
    %dma_wait3A_107 = arith.constant 0 : i32
    %dma_wait3A_108 = tpu.memref_slice %arg6[%dma_wait3A_97, %dma_wait3A_106, %dma_wait3A_107] : memref<3x512x64xf32, #tpu.memory_space<vmem>> -> memref<1x512x64xf32, #tpu.memory_space<vmem>>
    %dma_wait3A_109 = tpu.memref_squeeze %dma_wait3A_108 : memref<1x512x64xf32, #tpu.memory_space<vmem>> -> memref<512x64xf32, #tpu.memory_space<vmem>>
    tpu.wait_dma2 semaphore(%arg10 : memref<!tpu.dma_semaphore, #tpu.memory_space<semaphore_mem>>) src(%dma_wait3A_109 : memref<512x64xf32, #tpu.memory_space<vmem>>) dst(%dma_wait3A_105 : memref<512x64xf32, #tpu.memory_space<hbm>>)
    %dma_start3A_110 = arith.constant 48 : i32
    %dma_start3A_111 = arith.constant 0 : i32
    %dma_start3A_112 = arith.constant 0 : i32
    %dma_start3A_113 = arith.constant 0 : i32
    %dma_start3A_114 = tpu.memref_slice %arg6[%dma_start3A_111, %dma_start3A_112, %dma_start3A_113] : memref<3x512x64xf32, #tpu.memory_space<vmem>> -> memref<1x512x64xf32, #tpu.memory_space<vmem>>
    %dma_start3A_115 = tpu.memref_squeeze %dma_start3A_114 : memref<1x512x64xf32, #tpu.memory_space<vmem>> -> memref<512x64xf32, #tpu.memory_space<vmem>>
    %dma_start3A_116 = arith.constant 0 : i32
    %dma_start3A_117 = tpu.memref_slice %arg5[%dma_start3A_110, %dma_start3A_116] : memref<50x512xi32, #tpu.memory_space<vmem>> -> memref<1x512xi32, #tpu.memory_space<vmem>>
    %dma_start3A_118 = tpu.memref_squeeze %dma_start3A_117 : memref<1x512xi32, #tpu.memory_space<vmem>> -> memref<512xi32, #tpu.memory_space<vmem>>
    %dma_start3A_119 = arith.constant 0 : i32
    %dma_start3A_120 = arith.constant 0 : i32
    %dma_start3A_121 = tpu.memref_slice %arg3[%dma_start3A_119, %dma_start3A_120] : memref<1000000x64xf32, #tpu.memory_space<hbm>> -> memref<1000000x64xf32, #tpu.memory_space<hbm>>
    tpu.enqueue_indirect_dma source(%dma_start3A_121 : memref<1000000x64xf32, #tpu.memory_space<hbm>>) target(%dma_start3A_115 : memref<512x64xf32, #tpu.memory_space<vmem>>) offsets(%dma_start3A_118 : memref<512xi32, #tpu.memory_space<vmem>>) semaphore(%arg7 : memref<!tpu.dma_semaphore, #tpu.memory_space<semaphore_mem>>)
    %dma_wait3A_122 = arith.constant 47 : i32
    %dma_wait3A_123 = arith.constant 2 : i32
    %dma_wait3A_124 = arith.constant 0 : i32
    %dma_wait3A_125 = arith.constant 0 : i32
    %dma_wait3A_126 = tpu.memref_slice %arg6[%dma_wait3A_123, %dma_wait3A_124, %dma_wait3A_125] : memref<3x512x64xf32, #tpu.memory_space<vmem>> -> memref<1x512x64xf32, #tpu.memory_space<vmem>>
    %dma_wait3A_127 = tpu.memref_squeeze %dma_wait3A_126 : memref<1x512x64xf32, #tpu.memory_space<vmem>> -> memref<512x64xf32, #tpu.memory_space<vmem>>
    %dma_wait3A_128 = arith.constant 0 : i32
    %dma_wait3A_129 = tpu.memref_slice %arg5[%dma_wait3A_122, %dma_wait3A_128] : memref<50x512xi32, #tpu.memory_space<vmem>> -> memref<1x512xi32, #tpu.memory_space<vmem>>
    %dma_wait3A_130 = tpu.memref_squeeze %dma_wait3A_129 : memref<1x512xi32, #tpu.memory_space<vmem>> -> memref<512xi32, #tpu.memory_space<vmem>>
    %dma_wait3A_131 = arith.constant 0 : i32
    %dma_wait3A_132 = arith.constant 0 : i32
    %dma_wait3A_133 = tpu.memref_slice %arg3[%dma_wait3A_131, %dma_wait3A_132] : memref<1000000x64xf32, #tpu.memory_space<hbm>> -> memref<1000000x64xf32, #tpu.memory_space<hbm>>
    tpu.wait_indirect_dma semaphore(%arg9 : memref<!tpu.dma_semaphore, #tpu.memory_space<semaphore_mem>>) src(%dma_wait3A_133 : memref<1000000x64xf32, #tpu.memory_space<hbm>>) dst(%dma_wait3A_127 : memref<512x64xf32, #tpu.memory_space<vmem>>)
    %add3A_134 = arith.constant 24064 : i32
    %add3A_135 = arith.addi %mul3A_2, %add3A_134 : i32
    %dma_start3A_136 = arith.constant 2 : i32
    %dma_start3A_137 = arith.constant 0 : i32
    %dma_start3A_138 = arith.constant 0 : i32
    %dma_start3A_139 = tpu.memref_slice %arg6[%dma_start3A_136, %dma_start3A_137, %dma_start3A_138] : memref<3x512x64xf32, #tpu.memory_space<vmem>> -> memref<1x512x64xf32, #tpu.memory_space<vmem>>
    %dma_start3A_140 = tpu.memref_squeeze %dma_start3A_139 : memref<1x512x64xf32, #tpu.memory_space<vmem>> -> memref<512x64xf32, #tpu.memory_space<vmem>>
    %dma_start3A_141 = arith.constant 0 : i32
    %dma_start3A_142 = tpu.memref_slice %arg4[%add3A_135, %dma_start3A_141] : memref<819200x64xf32, #tpu.memory_space<hbm>> -> memref<512x64xf32, #tpu.memory_space<hbm>>
    %dma_start3A_143 = arith.constant 0 : i32
    %dma_start3A_144 = tpu.memref_slice %arg4[%add3A_135, %dma_start3A_143] : memref<819200x64xf32, #tpu.memory_space<hbm>> -> memref<512x64xf32, #tpu.memory_space<hbm>>
    %dma_start3A_145 = arith.constant 0 : i32
    %dma_start3A_146 = arith.constant 0 : i32
    %dma_start3A_147 = tpu.memref_slice %arg6[%dma_start3A_136, %dma_start3A_145, %dma_start3A_146] : memref<3x512x64xf32, #tpu.memory_space<vmem>> -> memref<1x512x64xf32, #tpu.memory_space<vmem>>
    %dma_start3A_148 = tpu.memref_squeeze %dma_start3A_147 : memref<1x512x64xf32, #tpu.memory_space<vmem>> -> memref<512x64xf32, #tpu.memory_space<vmem>>
    tpu.enqueue_dma source(%dma_start3A_148 : memref<512x64xf32, #tpu.memory_space<vmem>>) target(%dma_start3A_144 : memref<512x64xf32, #tpu.memory_space<hbm>>) target_semaphore(%arg12 : memref<!tpu.dma_semaphore, #tpu.memory_space<semaphore_mem>>)
    %add3A_149 = arith.constant 23552 : i32
    %add3A_150 = arith.addi %mul3A_2, %add3A_149 : i32
    %dma_wait3A_151 = arith.constant 1 : i32
    %dma_wait3A_152 = arith.constant 0 : i32
    %dma_wait3A_153 = arith.constant 0 : i32
    %dma_wait3A_154 = tpu.memref_slice %arg6[%dma_wait3A_151, %dma_wait3A_152, %dma_wait3A_153] : memref<3x512x64xf32, #tpu.memory_space<vmem>> -> memref<1x512x64xf32, #tpu.memory_space<vmem>>
    %dma_wait3A_155 = tpu.memref_squeeze %dma_wait3A_154 : memref<1x512x64xf32, #tpu.memory_space<vmem>> -> memref<512x64xf32, #tpu.memory_space<vmem>>
    %dma_wait3A_156 = arith.constant 0 : i32
    %dma_wait3A_157 = tpu.memref_slice %arg4[%add3A_150, %dma_wait3A_156] : memref<819200x64xf32, #tpu.memory_space<hbm>> -> memref<512x64xf32, #tpu.memory_space<hbm>>
    %dma_wait3A_158 = arith.constant 0 : i32
    %dma_wait3A_159 = tpu.memref_slice %arg4[%add3A_150, %dma_wait3A_158] : memref<819200x64xf32, #tpu.memory_space<hbm>> -> memref<512x64xf32, #tpu.memory_space<hbm>>
    %dma_wait3A_160 = arith.constant 0 : i32
    %dma_wait3A_161 = arith.constant 0 : i32
    %dma_wait3A_162 = tpu.memref_slice %arg6[%dma_wait3A_151, %dma_wait3A_160, %dma_wait3A_161] : memref<3x512x64xf32, #tpu.memory_space<vmem>> -> memref<1x512x64xf32, #tpu.memory_space<vmem>>
    %dma_wait3A_163 = tpu.memref_squeeze %dma_wait3A_162 : memref<1x512x64xf32, #tpu.memory_space<vmem>> -> memref<512x64xf32, #tpu.memory_space<vmem>>
    tpu.wait_dma2 semaphore(%arg11 : memref<!tpu.dma_semaphore, #tpu.memory_space<semaphore_mem>>) src(%dma_wait3A_163 : memref<512x64xf32, #tpu.memory_space<vmem>>) dst(%dma_wait3A_159 : memref<512x64xf32, #tpu.memory_space<hbm>>)
    %dma_start3A_164 = arith.constant 49 : i32
    %dma_start3A_165 = arith.constant 1 : i32
    %dma_start3A_166 = arith.constant 0 : i32
    %dma_start3A_167 = arith.constant 0 : i32
    %dma_start3A_168 = tpu.memref_slice %arg6[%dma_start3A_165, %dma_start3A_166, %dma_start3A_167] : memref<3x512x64xf32, #tpu.memory_space<vmem>> -> memref<1x512x64xf32, #tpu.memory_space<vmem>>
    %dma_start3A_169 = tpu.memref_squeeze %dma_start3A_168 : memref<1x512x64xf32, #tpu.memory_space<vmem>> -> memref<512x64xf32, #tpu.memory_space<vmem>>
    %dma_start3A_170 = arith.constant 0 : i32
    %dma_start3A_171 = tpu.memref_slice %arg5[%dma_start3A_164, %dma_start3A_170] : memref<50x512xi32, #tpu.memory_space<vmem>> -> memref<1x512xi32, #tpu.memory_space<vmem>>
    %dma_start3A_172 = tpu.memref_squeeze %dma_start3A_171 : memref<1x512xi32, #tpu.memory_space<vmem>> -> memref<512xi32, #tpu.memory_space<vmem>>
    %dma_start3A_173 = arith.constant 0 : i32
    %dma_start3A_174 = arith.constant 0 : i32
    %dma_start3A_175 = tpu.memref_slice %arg3[%dma_start3A_173, %dma_start3A_174] : memref<1000000x64xf32, #tpu.memory_space<hbm>> -> memref<1000000x64xf32, #tpu.memory_space<hbm>>
    tpu.enqueue_indirect_dma source(%dma_start3A_175 : memref<1000000x64xf32, #tpu.memory_space<hbm>>) target(%dma_start3A_169 : memref<512x64xf32, #tpu.memory_space<vmem>>) offsets(%dma_start3A_172 : memref<512xi32, #tpu.memory_space<vmem>>) semaphore(%arg8 : memref<!tpu.dma_semaphore, #tpu.memory_space<semaphore_mem>>)
    %dma_wait3A_176 = arith.constant 48 : i32
    %dma_wait3A_177 = arith.constant 0 : i32
    %dma_wait3A_178 = arith.constant 0 : i32
    %dma_wait3A_179 = arith.constant 0 : i32
    %dma_wait3A_180 = tpu.memref_slice %arg6[%dma_wait3A_177, %dma_wait3A_178, %dma_wait3A_179] : memref<3x512x64xf32, #tpu.memory_space<vmem>> -> memref<1x512x64xf32, #tpu.memory_space<vmem>>
    %dma_wait3A_181 = tpu.memref_squeeze %dma_wait3A_180 : memref<1x512x64xf32, #tpu.memory_space<vmem>> -> memref<512x64xf32, #tpu.memory_space<vmem>>
    %dma_wait3A_182 = arith.constant 0 : i32
    %dma_wait3A_183 = tpu.memref_slice %arg5[%dma_wait3A_176, %dma_wait3A_182] : memref<50x512xi32, #tpu.memory_space<vmem>> -> memref<1x512xi32, #tpu.memory_space<vmem>>
    %dma_wait3A_184 = tpu.memref_squeeze %dma_wait3A_183 : memref<1x512xi32, #tpu.memory_space<vmem>> -> memref<512xi32, #tpu.memory_space<vmem>>
    %dma_wait3A_185 = arith.constant 0 : i32
    %dma_wait3A_186 = arith.constant 0 : i32
    %dma_wait3A_187 = tpu.memref_slice %arg3[%dma_wait3A_185, %dma_wait3A_186] : memref<1000000x64xf32, #tpu.memory_space<hbm>> -> memref<1000000x64xf32, #tpu.memory_space<hbm>>
    tpu.wait_indirect_dma semaphore(%arg7 : memref<!tpu.dma_semaphore, #tpu.memory_space<semaphore_mem>>) src(%dma_wait3A_187 : memref<1000000x64xf32, #tpu.memory_space<hbm>>) dst(%dma_wait3A_181 : memref<512x64xf32, #tpu.memory_space<vmem>>)
    %add3A_188 = arith.constant 24576 : i32
    %add3A_189 = arith.addi %mul3A_2, %add3A_188 : i32
    %dma_start3A_190 = arith.constant 0 : i32
    %dma_start3A_191 = arith.constant 0 : i32
    %dma_start3A_192 = arith.constant 0 : i32
    %dma_start3A_193 = tpu.memref_slice %arg6[%dma_start3A_190, %dma_start3A_191, %dma_start3A_192] : memref<3x512x64xf32, #tpu.memory_space<vmem>> -> memref<1x512x64xf32, #tpu.memory_space<vmem>>
    %dma_start3A_194 = tpu.memref_squeeze %dma_start3A_193 : memref<1x512x64xf32, #tpu.memory_space<vmem>> -> memref<512x64xf32, #tpu.memory_space<vmem>>
    %dma_start3A_195 = arith.constant 0 : i32
    %dma_start3A_196 = tpu.memref_slice %arg4[%add3A_189, %dma_start3A_195] : memref<819200x64xf32, #tpu.memory_space<hbm>> -> memref<512x64xf32, #tpu.memory_space<hbm>>
    %dma_start3A_197 = arith.constant 0 : i32
    %dma_start3A_198 = tpu.memref_slice %arg4[%add3A_189, %dma_start3A_197] : memref<819200x64xf32, #tpu.memory_space<hbm>> -> memref<512x64xf32, #tpu.memory_space<hbm>>
    %dma_start3A_199 = arith.constant 0 : i32
    %dma_start3A_200 = arith.constant 0 : i32
    %dma_start3A_201 = tpu.memref_slice %arg6[%dma_start3A_190, %dma_start3A_199, %dma_start3A_200] : memref<3x512x64xf32, #tpu.memory_space<vmem>> -> memref<1x512x64xf32, #tpu.memory_space<vmem>>
    %dma_start3A_202 = tpu.memref_squeeze %dma_start3A_201 : memref<1x512x64xf32, #tpu.memory_space<vmem>> -> memref<512x64xf32, #tpu.memory_space<vmem>>
    tpu.enqueue_dma source(%dma_start3A_202 : memref<512x64xf32, #tpu.memory_space<vmem>>) target(%dma_start3A_198 : memref<512x64xf32, #tpu.memory_space<hbm>>) target_semaphore(%arg10 : memref<!tpu.dma_semaphore, #tpu.memory_space<semaphore_mem>>)
    %add3A_203 = arith.constant 24064 : i32
    %add3A_204 = arith.addi %mul3A_2, %add3A_203 : i32
    %dma_wait3A_205 = arith.constant 2 : i32
    %dma_wait3A_206 = arith.constant 0 : i32
    %dma_wait3A_207 = arith.constant 0 : i32
    %dma_wait3A_208 = tpu.memref_slice %arg6[%dma_wait3A_205, %dma_wait3A_206, %dma_wait3A_207] : memref<3x512x64xf32, #tpu.memory_space<vmem>> -> memref<1x512x64xf32, #tpu.memory_space<vmem>>
    %dma_wait3A_209 = tpu.memref_squeeze %dma_wait3A_208 : memref<1x512x64xf32, #tpu.memory_space<vmem>> -> memref<512x64xf32, #tpu.memory_space<vmem>>
    %dma_wait3A_210 = arith.constant 0 : i32
    %dma_wait3A_211 = tpu.memref_slice %arg4[%add3A_204, %dma_wait3A_210] : memref<819200x64xf32, #tpu.memory_space<hbm>> -> memref<512x64xf32, #tpu.memory_space<hbm>>
    %dma_wait3A_212 = arith.constant 0 : i32
    %dma_wait3A_213 = tpu.memref_slice %arg4[%add3A_204, %dma_wait3A_212] : memref<819200x64xf32, #tpu.memory_space<hbm>> -> memref<512x64xf32, #tpu.memory_space<hbm>>
    %dma_wait3A_214 = arith.constant 0 : i32
    %dma_wait3A_215 = arith.constant 0 : i32
    %dma_wait3A_216 = tpu.memref_slice %arg6[%dma_wait3A_205, %dma_wait3A_214, %dma_wait3A_215] : memref<3x512x64xf32, #tpu.memory_space<vmem>> -> memref<1x512x64xf32, #tpu.memory_space<vmem>>
    %dma_wait3A_217 = tpu.memref_squeeze %dma_wait3A_216 : memref<1x512x64xf32, #tpu.memory_space<vmem>> -> memref<512x64xf32, #tpu.memory_space<vmem>>
    tpu.wait_dma2 semaphore(%arg12 : memref<!tpu.dma_semaphore, #tpu.memory_space<semaphore_mem>>) src(%dma_wait3A_217 : memref<512x64xf32, #tpu.memory_space<vmem>>) dst(%dma_wait3A_213 : memref<512x64xf32, #tpu.memory_space<hbm>>)
    %dma_wait3A_218 = arith.constant 49 : i32
    %dma_wait3A_219 = arith.constant 1 : i32
    %dma_wait3A_220 = arith.constant 0 : i32
    %dma_wait3A_221 = arith.constant 0 : i32
    %dma_wait3A_222 = tpu.memref_slice %arg6[%dma_wait3A_219, %dma_wait3A_220, %dma_wait3A_221] : memref<3x512x64xf32, #tpu.memory_space<vmem>> -> memref<1x512x64xf32, #tpu.memory_space<vmem>>
    %dma_wait3A_223 = tpu.memref_squeeze %dma_wait3A_222 : memref<1x512x64xf32, #tpu.memory_space<vmem>> -> memref<512x64xf32, #tpu.memory_space<vmem>>
    %dma_wait3A_224 = arith.constant 0 : i32
    %dma_wait3A_225 = tpu.memref_slice %arg5[%dma_wait3A_218, %dma_wait3A_224] : memref<50x512xi32, #tpu.memory_space<vmem>> -> memref<1x512xi32, #tpu.memory_space<vmem>>
    %dma_wait3A_226 = tpu.memref_squeeze %dma_wait3A_225 : memref<1x512xi32, #tpu.memory_space<vmem>> -> memref<512xi32, #tpu.memory_space<vmem>>
    %dma_wait3A_227 = arith.constant 0 : i32
    %dma_wait3A_228 = arith.constant 0 : i32
    %dma_wait3A_229 = tpu.memref_slice %arg3[%dma_wait3A_227, %dma_wait3A_228] : memref<1000000x64xf32, #tpu.memory_space<hbm>> -> memref<1000000x64xf32, #tpu.memory_space<hbm>>
    tpu.wait_indirect_dma semaphore(%arg8 : memref<!tpu.dma_semaphore, #tpu.memory_space<semaphore_mem>>) src(%dma_wait3A_229 : memref<1000000x64xf32, #tpu.memory_space<hbm>>) dst(%dma_wait3A_223 : memref<512x64xf32, #tpu.memory_space<vmem>>)
    %add3A_230 = arith.constant 25088 : i32
    %add3A_231 = arith.addi %mul3A_2, %add3A_230 : i32
    %dma_start3A_232 = arith.constant 1 : i32
    %dma_start3A_233 = arith.constant 0 : i32
    %dma_start3A_234 = arith.constant 0 : i32
    %dma_start3A_235 = tpu.memref_slice %arg6[%dma_start3A_232, %dma_start3A_233, %dma_start3A_234] : memref<3x512x64xf32, #tpu.memory_space<vmem>> -> memref<1x512x64xf32, #tpu.memory_space<vmem>>
    %dma_start3A_236 = tpu.memref_squeeze %dma_start3A_235 : memref<1x512x64xf32, #tpu.memory_space<vmem>> -> memref<512x64xf32, #tpu.memory_space<vmem>>
    %dma_start3A_237 = arith.constant 0 : i32
    %dma_start3A_238 = tpu.memref_slice %arg4[%add3A_231, %dma_start3A_237] : memref<819200x64xf32, #tpu.memory_space<hbm>> -> memref<512x64xf32, #tpu.memory_space<hbm>>
    %dma_start3A_239 = arith.constant 0 : i32
    %dma_start3A_240 = tpu.memref_slice %arg4[%add3A_231, %dma_start3A_239] : memref<819200x64xf32, #tpu.memory_space<hbm>> -> memref<512x64xf32, #tpu.memory_space<hbm>>
    %dma_start3A_241 = arith.constant 0 : i32
    %dma_start3A_242 = arith.constant 0 : i32
    %dma_start3A_243 = tpu.memref_slice %arg6[%dma_start3A_232, %dma_start3A_241, %dma_start3A_242] : memref<3x512x64xf32, #tpu.memory_space<vmem>> -> memref<1x512x64xf32, #tpu.memory_space<vmem>>
    %dma_start3A_244 = tpu.memref_squeeze %dma_start3A_243 : memref<1x512x64xf32, #tpu.memory_space<vmem>> -> memref<512x64xf32, #tpu.memory_space<vmem>>
    tpu.enqueue_dma source(%dma_start3A_244 : memref<512x64xf32, #tpu.memory_space<vmem>>) target(%dma_start3A_240 : memref<512x64xf32, #tpu.memory_space<hbm>>) target_semaphore(%arg11 : memref<!tpu.dma_semaphore, #tpu.memory_space<semaphore_mem>>)
    %add3A_245 = arith.constant 24576 : i32
    %add3A_246 = arith.addi %mul3A_2, %add3A_245 : i32
    %dma_wait3A_247 = arith.constant 0 : i32
    %dma_wait3A_248 = arith.constant 0 : i32
    %dma_wait3A_249 = arith.constant 0 : i32
    %dma_wait3A_250 = tpu.memref_slice %arg6[%dma_wait3A_247, %dma_wait3A_248, %dma_wait3A_249] : memref<3x512x64xf32, #tpu.memory_space<vmem>> -> memref<1x512x64xf32, #tpu.memory_space<vmem>>
    %dma_wait3A_251 = tpu.memref_squeeze %dma_wait3A_250 : memref<1x512x64xf32, #tpu.memory_space<vmem>> -> memref<512x64xf32, #tpu.memory_space<vmem>>
    %dma_wait3A_252 = arith.constant 0 : i32
    %dma_wait3A_253 = tpu.memref_slice %arg4[%add3A_246, %dma_wait3A_252] : memref<819200x64xf32, #tpu.memory_space<hbm>> -> memref<512x64xf32, #tpu.memory_space<hbm>>
    %dma_wait3A_254 = arith.constant 0 : i32
    %dma_wait3A_255 = tpu.memref_slice %arg4[%add3A_246, %dma_wait3A_254] : memref<819200x64xf32, #tpu.memory_space<hbm>> -> memref<512x64xf32, #tpu.memory_space<hbm>>
    %dma_wait3A_256 = arith.constant 0 : i32
    %dma_wait3A_257 = arith.constant 0 : i32
    %dma_wait3A_258 = tpu.memref_slice %arg6[%dma_wait3A_247, %dma_wait3A_256, %dma_wait3A_257] : memref<3x512x64xf32, #tpu.memory_space<vmem>> -> memref<1x512x64xf32, #tpu.memory_space<vmem>>
    %dma_wait3A_259 = tpu.memref_squeeze %dma_wait3A_258 : memref<1x512x64xf32, #tpu.memory_space<vmem>> -> memref<512x64xf32, #tpu.memory_space<vmem>>
    tpu.wait_dma2 semaphore(%arg10 : memref<!tpu.dma_semaphore, #tpu.memory_space<semaphore_mem>>) src(%dma_wait3A_259 : memref<512x64xf32, #tpu.memory_space<vmem>>) dst(%dma_wait3A_255 : memref<512x64xf32, #tpu.memory_space<hbm>>)
    %add3A_260 = arith.constant 25088 : i32
    %add3A_261 = arith.addi %mul3A_2, %add3A_260 : i32
    %dma_wait3A_262 = arith.constant 1 : i32
    %dma_wait3A_263 = arith.constant 0 : i32
    %dma_wait3A_264 = arith.constant 0 : i32
    %dma_wait3A_265 = tpu.memref_slice %arg6[%dma_wait3A_262, %dma_wait3A_263, %dma_wait3A_264] : memref<3x512x64xf32, #tpu.memory_space<vmem>> -> memref<1x512x64xf32, #tpu.memory_space<vmem>>
    %dma_wait3A_266 = tpu.memref_squeeze %dma_wait3A_265 : memref<1x512x64xf32, #tpu.memory_space<vmem>> -> memref<512x64xf32, #tpu.memory_space<vmem>>
    %dma_wait3A_267 = arith.constant 0 : i32
    %dma_wait3A_268 = tpu.memref_slice %arg4[%add3A_261, %dma_wait3A_267] : memref<819200x64xf32, #tpu.memory_space<hbm>> -> memref<512x64xf32, #tpu.memory_space<hbm>>
    %dma_wait3A_269 = arith.constant 0 : i32
    %dma_wait3A_270 = tpu.memref_slice %arg4[%add3A_261, %dma_wait3A_269] : memref<819200x64xf32, #tpu.memory_space<hbm>> -> memref<512x64xf32, #tpu.memory_space<hbm>>
    %dma_wait3A_271 = arith.constant 0 : i32
    %dma_wait3A_272 = arith.constant 0 : i32
    %dma_wait3A_273 = tpu.memref_slice %arg6[%dma_wait3A_262, %dma_wait3A_271, %dma_wait3A_272] : memref<3x512x64xf32, #tpu.memory_space<vmem>> -> memref<1x512x64xf32, #tpu.memory_space<vmem>>
    %dma_wait3A_274 = tpu.memref_squeeze %dma_wait3A_273 : memref<1x512x64xf32, #tpu.memory_space<vmem>> -> memref<512x64xf32, #tpu.memory_space<vmem>>
    tpu.wait_dma2 semaphore(%arg11 : memref<!tpu.dma_semaphore, #tpu.memory_space<semaphore_mem>>) src(%dma_wait3A_274 : memref<512x64xf32, #tpu.memory_space<vmem>>) dst(%dma_wait3A_270 : memref<512x64xf32, #tpu.memory_space<hbm>>)
    return
  }
}

</mosaic_0001>

<sc_bundles>
// kernel: kernel.3.cloned.1.call-start
scs
__scs_entry_jumppad:
0x0: {  	(pc) =	sbr.rel $0x88, $3  }
0x1: {  	(tag) =	ssettag $0x0;
	lr =	simm.s32 $0x1  }
0x2: {  	[smem:$0x3F9F] =	sst lr;
	_ =	strace $0xD0000000  }
0x3: {  	_ = 	snop  }
0x4: {  	_ = 	snop  }
0x5: {  	_ = 	snop  }
0x6: {  	_ = 	snop  }
0x7: {  	_ = 	snop  }
__scs_overlays_trampoline_lowered:
0x8: {  	[smem:$0x3FAE] =	sst s0  }
0x9: {  	[smem:$0x3FAF] =	sst s1  }
0xa: {  	[smem:$0x3FB0] =	sst s2  }
0xb: {  	[smem:$0x3FB1] =	sst s3  }
0xc: {  	[smem:$0x3FB2] =	sst s4  }
0xd: {  	[smem:$0x3FB3] =	sst s5  }
0xe: {  	[smem:$0x3FB4] =	sst s6  }
0xf: {  	[smem:$0x3FB5] =	sst s7  }
0x10: {  	[smem:$0x3FB6] =	sst s8  }
0x11: {  	[smem:$0x3FB7] =	sst s9;
	s0 =	simm.s32 @!p0 $0x0  }
0x12: {  	s1 =	sld [smem:$0x3F9D];
	s0 =	simm.s32 @p0 $0x1  }
0x13: {  	[smem:$0x3FB8] =	sst s0;
	s0 =	simm.s32 @!p1 $0x0  }
0x14: {  	s2 =	sld [smem:$0x3F9C];
	s0 =	simm.s32 @p1 $0x1  }
0x15: {  	[smem:$0x3FB9] =	sst s0;
	s0 =	simm.s32 @!p2 $0x0  }
0x16: {  	s3 =	sld [smem:$0x3FDB];
	s0 =	simm.s32 @p2 $0x1  }
0x17: {  	s4 =	simm.s32 $0x1BF5;
	[smem:$0x3FBB] =	sst s0  }
0x18: {  	s0 =	sld [smem:$0x3F9E];
	_ =	swait.ge [sflag:s4], $0x0  }
0x19: {  	s7 =	sld [smem:$0x3F9F]  }
0x1a: {  	s8 =	sadd.s32 $0xFFFFE003, lr  }
0x1b: {  	s9 =	sadd.s32 $0xFFFFFEF7, lr;
	s5 =	simm.s32 $0xFFFFFFFF;
	p2 =	slt.u32 s8, $0xFFFFF086  }
0x1c: {  	p1 =	slt.u32 s9, $0xF7A;
	s5 =	simm.s32 @!p2 $0x0  }
0x1d: {  	s5 =	simm.s32 @p1 $0x1;
	p0 =	seq.s32 s7, s2  }
0x1e: {  	s7 =	smul.u32 @!p0 $0xF7A, s2;
	p2 =	seq.s32 @!p0 s5, $0x0  }
0x1f: {  	s9 =	smul.u32 $0xF7A, s1;
	s8 =	simm.s32 @!p0 $0x1BF5;
	p2 =	por !p2, p0  }
0x20: {  	[sflag:s8] =	ssyncset.s32 @!p0 $0xFFFFF086;
	s6 =	sadd.s32 @!p0 s3, s7;
	s7 =	simm.s32 @!p0 $0x108  }
0x21: {  	s3 =	sadd.s32 s3, s9;
	s6 =	sadd.s32 @!p0 $0x88, s6;
	s7 =	simm.s32 @p2 $0x1082  }
0x22: {  	[simem:s7], [sflag:s8] =	dma.local @!p0 [hbm:s6], $0xF7A  }
0x23: {  	s9 =	sor.u32 $0xD0000000, s2;
	s6 =	simm.s32 $0x108;
	_ =	swait.ge @!p0 [sflag:s8], $0x0  }
0x24: {  	s3 =	sadd.s32 $0x88, s3;
	s6 =	simm.s32 @!p1 $0x1082;
	[sflag:s4] =	ssyncset.s32 $0xFFFFF086  }
0x25: {  	[simem:s6], [sflag:s4] =	dma.local [hbm:s3], $0xF7A  }
0x26: {  	[smem:$0x3F9F] =	sst s1;
	(tag) =	ssettag s2;
	_ =	strace s9  }
0x27: {  	s1 =	sld [smem:$0x3FAF]  }
0x28: {  	s2 =	sld [smem:$0x3FB0]  }
0x29: {  	s4 =	sld [smem:$0x3FB2]  }
0x2a: {  	p0 =	seq.s32 s5, $0x0;
	s5 =	sld [smem:$0x3FB3]  }
0x2b: {  	s6 =	sld [smem:$0x3FB4]  }
0x2c: {  	s7 =	sld [smem:$0x3FB5]  }
0x2d: {  	s3 =	simm.s32 $0x108;
	s8 =	sld [smem:$0x3FB6]  }
0x2e: {  	s3 =	simm.s32 @!p0 $0x1082;
	s9 =	sld [smem:$0x3FB7]  }
0x2f: {  	lr =	sadd.s32 s0, s3;
	s0 =	sld [smem:$0x3FAE]  }
0x30: {  	s3 =	sld [smem:$0x3FB1]  }
0x31: {  	[smem:$0x3FBA] =	sst s10  }
0x32: {  	s10 =	sld [smem:$0x3FB8];
	_ =	sdelay $0x3  }
0x33: {  	p0 =	seq.s32 s10, $0x1;
	s10 =	sld [smem:$0x3FBA];
	_ =	sdelay $0x3  }
0x34: {  	[smem:$0x3FBA] =	sst s10  }
0x35: {  	s10 =	sld [smem:$0x3FB9];
	_ =	sdelay $0x3  }
0x36: {  	p1 =	seq.s32 s10, $0x1;
	s10 =	sld [smem:$0x3FBA];
	_ =	sdelay $0x3  }
0x37: {  	[smem:$0x3FBA] =	sst s10  }
0x38: {  	s10 =	sld [smem:$0x3FBB]  }
0x39: {  	_ = 	snop;
	(pc) =	sbr.ind lr, $3  }
0x3a: {  	_ = 	snop  }
0x3b: {  	_ = 	snop  }
0x3c: {  	p2 =	seq.s32 s10, $0x1;
	s10 =	sld [smem:$0x3FBA]  }
0x3d: {  	_ =	shalt  }
0x3e: {  	_ =	shalt  }
0x3f: {  	_ =	shalt  }
0x40: {  	_ =	shalt  }
0x41: {  	_ =	shalt  }
0x42: {  	_ =	shalt  }
0x43: {  	_ =	shalt  }
0x44: {  	_ =	shalt  }
0x45: {  	_ =	shalt  }
0x46: {  	_ =	shalt  }
0x47: {  	_ =	shalt  }
0x48: {  	_ =	shalt  }
0x49: {  	_ =	shalt  }
0x4a: {  	_ =	shalt  }
0x4b: {  	_ =	shalt  }
0x4c: {  	_ =	shalt  }
0x4d: {  	_ =	shalt  }
0x4e: {  	_ =	shalt  }
0x4f: {  	_ =	shalt  }
0x50: {  	_ =	shalt  }
0x51: {  	_ =	shalt  }
0x52: {  	_ =	shalt  }
0x53: {  	_ =	shalt  }
0x54: {  	_ =	shalt  }
0x55: {  	_ =	shalt  }
0x56: {  	_ =	shalt  }
0x57: {  	_ =	shalt  }
0x58: {  	_ =	shalt  }
0x59: {  	_ =	shalt  }
0x5a: {  	_ =	shalt  }
0x5b: {  	_ =	shalt  }
0x5c: {  	_ =	shalt  }
0x5d: {  	_ =	shalt  }
0x5e: {  	_ =	shalt  }
0x5f: {  	_ =	shalt  }
0x60: {  	_ =	shalt  }
0x61: {  	_ =	shalt  }
0x62: {  	_ =	shalt  }
0x63: {  	_ =	shalt  }
0x64: {  	_ =	shalt  }
0x65: {  	_ =	shalt  }
0x66: {  	_ =	shalt  }
0x67: {  	_ =	shalt  }
0x68: {  	_ =	shalt  }
0x69: {  	_ =	shalt  }
0x6a: {  	_ =	shalt  }
0x6b: {  	_ =	shalt  }
0x6c: {  	_ =	shalt  }
0x6d: {  	_ =	shalt  }
0x6e: {  	_ =	shalt  }
0x6f: {  	_ =	shalt  }
0x70: {  	_ =	shalt  }
0x71: {  	_ =	shalt  }
0x72: {  	_ =	shalt  }
0x73: {  	_ =	shalt  }
0x74: {  	_ =	shalt  }
0x75: {  	_ =	shalt  }
0x76: {  	_ =	shalt  }
0x77: {  	_ =	shalt  }
0x78: {  	_ =	shalt  }
0x79: {  	_ =	shalt  }
0x7a: {  	_ =	shalt  }
0x7b: {  	_ =	shalt  }
0x7c: {  	_ =	shalt  }
0x7d: {  	_ =	shalt  }
0x7e: {  	_ =	shalt  }
0x7f: {  	_ =	shalt  }
0x80: {  	_ =	shalt  }
0x81: {  	_ =	shalt  }
0x82: {  	_ =	shalt  }
0x83: {  	_ =	shalt  }
0x84: {  	_ =	shalt  }
0x85: {  	_ =	shalt  }
0x86: {  	_ =	shalt  }
0x87: {  	_ =	shalt  }
.Lfunc_end0:
.L_simem_size_0:
called_computation.1_lowered:
.L_overlay_start_0:
0x88: {  	s2 =	sld [smem:$0x3FD9]  }
0x89: {  	s3 =	sld [smem:$0x3FFE];
	_ =	sdelay $0x1  }
0x8a: {  	s1 =	srdreg.scid  }
0x8b: {  	s0 =	sand.u32 $0x1, s1  }
0x8c: {  	s17 =	sshll.u32 s0, $0xA;
	s2 =	sadd.s32 s3, s2  }
0x8d: {  	s2 =	sadd.s32 s2, s17  }
0x8e: {  	[smem:$0x3FC6] =	sst s2  }
0x8f: {  	_ = 	snop  }
0x90: {  	s2 =	sld [smem:$0x3FD0];
	(tm) =	ssettm $0x1  }
0x91: {  	s18 =	sld [smem:$0x3FFB];
	_ =	sdelay $0x3  }
0x92: {  	_ =	strace s18  }
0x93: {  	s3 =	sld [smem:$0x3FFC];
	_ =	sdelay $0x3  }
0x94: {  	_ =	strace s3  }
0x95: {  	s3 =	sld [smem:$0x3FFD];
	_ =	sdelay $0x3  }
0x96: {  	_ =	strace s3  }
0x97: {  	_ =	strace $0x8FFFFFFF  }
0x98: {  	s19 =	sld [smem:$0x3FDB];
	_ =	sdelay $0x1  }
0x99: {  	s4 =	simm.s32 $_scs_section_size  }
0x9a: {  	s5 =	simm.s32 $_size__tile_overlayer_lowered;
	s6 =	simm.s32 $_tile_overlayer_lowered  }
0x9b: {  	s22 =	simm.s32 $0x1BFF;
	s21 =	sshll.u32 s6, $0x1;
	s3 =	sadd.s32 s4, s19  }
0x9c: {  	s7 =	simm.s32 $0x0;
	s20 =	sshll.u32 s5, $0x1;
	s5 =	sadd.s32 s21, s3  }
0x9d: {  	[timem:s7], [sflag:s22] =	dma.local [hbm:s5], s20  }
0x9e: {  	_ =	swait.ge [sflag:s22], s20  }
0x9f: {  	s4 =	ssub.s32 $0x0, s20;
	[sflag:s22] =	ssyncset.done $0x0  }
0xa0: {  	[sflag:s22] =	ssyncadd.s32 s4;
	_ =	sdelay $0x1  }
0xa1: {  	s23 =	simm.s32 $0x1B8B  }
0xa2: {  	_ =	swait.ge [sflag:s23], $0x1  }
0xa3: {  	[sflag:s23] =	ssyncset.done $0x0  }
0xa4: {  	s25 =	simm.s32 $0x1B8E;
	s24 =	sld [smem:$0x3FFE];
	[sflag:s23] =	ssyncadd.s32 $0xFFFFFFFF  }
0xa5: {  	s26 =	simm.s32 $execute0_lowered;
	[smem:$0x3FD2] =	sst s25  }
0xa6: {  	s5 =	sshll.u32 s26, $0x1;
	_ =	strace $0x80000046;
	[dreg:$0x1] =	wrdreg $0xFFFFFFFF  }
0xa7: {  	s28 =	simm.s32 $_size_execute0_lowered;
	s3 =	sadd.s32 s3, s5;
	[dreg:$0x0] =	wrdreg $0x0  }
0xa8: {  	s5 =	sshll.u32 s28, $0x1;
	[dreg:$0x2] =	wrdreg s3  }
0xa9: {  	[dreg:$0x3] =	wrdreg s5  }
0xaa: {  	[dreg:$0x4] =	wrdreg $0xC0  }
0xab: {  	_ =	task [dreg:s7], $0x5FFFF  }
0xac: {  	[dreg:$0x1] =	wrdreg $0xFFFFFFFF  }
0xad: {  	[dreg:$0x0] =	wrdreg $0x60  }
0xae: {  	[dreg:$0x2] =	wrdreg s24  }
0xaf: {  	[dreg:$0x3] =	wrdreg s2  }
0xb0: {  	[dreg:$0x4] =	wrdreg $0x9  }
0xb1: {  	_ =	task.clear_ibuf [dreg:s7], $0x5FFFF;
	_ =	strace $0x90000046  }
0xb2: {  	s29 =	simm.s32 $0x9;
	_ =	strace $0x80000048  }
0xb3: {  	_ =	swait.ge [sflag:s29], $0x1  }
0xb4: {  	[sflag:s29] =	ssyncadd.s32 $0xFFFFFFFF  }
0xb5: {  	_ =	strace $0x90000048  }
0xb6: {  	_ =	sfence  }
0xb7: {  	s30 =	sld [smem:$0x0];
	_ =	sdelay $0x2  }
0xb8: {  	s31 =	sshll.u32 s1, $0xD;
	s1 =	sshrl.u32 s1, $0x2  }
0xb9: {  	s3 =	sand.u32 $0x4000, s31;
	s1 =	sadd.s32 s1, s30  }
0xba: {  	s0 =	sor.u32 s3, s0;
	s1 =	sshll.u32 s1, $0x11  }
0xbb: {  	s0 =	sor.u32 s1, s0  }
0xbc: {  	s0 =	sadd.s32 $0x8F2B, s0  }
0xbd: {  	[sflag:s0] =	ssyncadd.remote.s32 $0x1  }
0xbe: {  	_ =	sfence.sel $0xFFFF  }
0xbf: {  	[dreg:$0x0] =	wrdreg $0xFFFFFFFF;
	(pc) =	sbr.abs _section_cstart, $3  }
0xc0: {  	[dreg:$0x1] =	wrdreg $0xFFFFFFFF  }
0xc1: {  	_ =	task.clear_ibuf [dreg:s7], $0x2FFFF;
	_ =	strace $0x9FFFFFFF  }
0xc2: {  	(tm) =	ssettm $0x7FFFFFFF  }
0xc3: {  	_ =	shalt  }
tec
execute0_lowered:
.L_overlay_start_1:
0x0: {  	(tag) =	ssettag $0x1  }
0x1: {  	s0 =	srdreg.scid;
	s3 =	rddreg [dreg:$0x0]  }
0x2: {  	s7 =	stileid.u32;
	s11 =	rddreg [dreg:$0x1]  }
0x3: {  	s2 =	simm.s32 $0x0;
	s14 =	simm.s32 $0x7;
	s15 =	simm.s32 $0x200  }
0x4: {  	s16 =	simm.s32 $0x6400;
	s17 =	simm.s32 $0xE400;
	s18 =	simm.s32 $0x1  }
0x5: {  	s20 =	simm.s32 $0x16400;
	s21 =	simm.s32 $0x2;
	s22 =	simm.s32 $0x4  }
0x6: {  	s0 =	sand.u32 $0x1, s0;
	s1 =	sshll.u32 s7, $0x1;
	s7 =	smul.u32 $0xC800, s7  }
0x7: {  	s1 =	sor.u32 s0, s1;
	s6 =	ssub.s32 $0x2, s0;
	s0 =	smul.u32 $0x6400, s0  }
0x8: {  	s23 =	simm.s32 $0x3;
	s24 =	simm.s32 $0x5;
	s4 =	smul.u32 $0x6400, s1  }
0x9: {  	s25 =	simm.s32 $0x6;
	s28 =	simm.s32 $0x6200;
	s5 =	smul.u32 $0x32000, s1  }
0xa: {  	[smem:$0x7FF] =	sst s2;
	s1 =	smul.u32 $0x190000, s1;
	s8 =	sshrl.u32 s6, $0x1  }
0xb: {  	s29 =	simm.s32 $0x0;
	_ =	strace $0x80000047;
	s10 =	ssub.s32 s6, s8  }
0xc: {  	s0 =	sadd.s32 s0, s7;
	s4 =	sshrl.u32 s4, $0x3;
	s1 =	sshrl.u32 s1, $0x3  }
0xd: {  	s5 =	sadd.s32 s11, s5;
	s0 =	sshll.u32 s0, $0x3;
	s10 =	smax.u32 s10, $0x1  }
0xe: {  	s4 =	sadd.s32 s4, s3;
	s3 =	sadd.s32 $0xF42E00, s3;
	s1 =	sadd.s32 s11, s1  }
0xf: {  	s0 =	sadd.s32 s11, s0;
	s4 =	sadd.s32 $0xA00, s4;
	s6 =	sadd.s32 $0x2E000, s1  }
0x10: {  	s7 =	sadd.s32 $0x2F000, s1;
	s8 =	sadd.s32 $0x30000, s1;
	s9 =	sadd.s32 $0x31000, s1  }
0x11: {  	s11 =	sadd.s32 $0x2000, s0;
	s12 =	sadd.s32 $0x1000, s0;
	s13 =	sadd.s32 $0x3000, s0  }
.LBB2_1:
0x12: {  	[tilespmem:s2], [sflag:$0x7] =	stream.linear.gather [hbm4b:s4+s2], $0x6400, $0x38;
	[tilespmem:$0x1E400] =	vst v63  }
0x13: {  	_ =	swait.ge [sflag:s14], $0x6400  }
0x14: {  	[sflag:s14] =	ssyncset.done $0x0  }
0x15: {  	[sflag:s14] =	ssyncadd.s32 $0xFFFF9C00  }
0x16: {  	[tilespmem:s16], [sflag:$0x1] =	stream.indirect.gather [hbm4b:s3+s15], $0x40, s2, s15, $0xb8;
	[tilespmem:$0x1E400] =	vst v63  }
0x17: {  	_ = 	snop  }
0x18: {  	[tilespmem:s17], [sflag:$0x2] =	stream.indirect.gather [hbm4b:s3+s15], $0x40, s15, s15, $0xb8;
	[tilespmem:$0x1E400] =	vst v63  }
0x19: {  	_ =	swait.ge [sflag:s18], $0x8000  }
0x1a: {  	[sflag:s18] =	ssyncset.done $0x0  }
0x1b: {  	[sflag:s18] =	ssyncadd.s32 $0xFFFF8000  }
0x1c: {  	[hbm4b:s5+s2] =	stream.linear.scatter [tilespmem:s16], [sflag:$0x4], $0x8000, $0x38;
	[tilespmem:$0x1E400] =	vst v63  }
0x1d: {  	s0 =	simm.s32 $0x400  }
0x1e: {  	[tilespmem:s20], [sflag:$0x3] =	stream.indirect.gather [hbm4b:s3+s15], $0x40, s0, s15, $0xb8;
	[tilespmem:$0x1E400] =	vst v63  }
0x1f: {  	_ =	swait.ge [sflag:s21], $0x8000  }
0x20: {  	[sflag:s21] =	ssyncset.done $0x0  }
0x21: {  	[sflag:s21] =	ssyncadd.s32 $0xFFFF8000  }
0x22: {  	[hbm4b:s12+s2] =	stream.linear.scatter [tilespmem:s17], [sflag:$0x5], $0x8000, $0x38;
	[tilespmem:$0x1E400] =	vst v63  }
0x23: {  	_ =	swait.ge [sflag:s22], $0x8000  }
0x24: {  	[sflag:s22] =	ssyncset.done $0x0  }
0x25: {  	s19 =	simm.s32 $0x600;
	[sflag:s22] =	ssyncadd.s32 $0xFFFF8000  }
0x26: {  	[tilespmem:s16], [sflag:$0x1] =	stream.indirect.gather [hbm4b:s3+s15], $0x40, s19, s15, $0xb8;
	[tilespmem:$0x1E400] =	vst v63  }
0x27: {  	_ =	swait.ge [sflag:s23], $0x8000  }
0x28: {  	[sflag:s23] =	ssyncset.done $0x0  }
0x29: {  	[sflag:s23] =	ssyncadd.s32 $0xFFFF8000  }
0x2a: {  	[hbm4b:s11+s2] =	stream.linear.scatter [tilespmem:s20], [sflag:$0x6], $0x8000, $0x38;
	[tilespmem:$0x1E400] =	vst v63  }
0x2b: {  	_ =	swait.ge [sflag:s24], $0x8000  }
0x2c: {  	[sflag:s24] =	ssyncset.done $0x0  }
0x2d: {  	s26 =	simm.s32 $0x800;
	[sflag:s24] =	ssyncadd.s32 $0xFFFF8000  }
0x2e: {  	[tilespmem:s17], [sflag:$0x2] =	stream.indirect.gather [hbm4b:s3+s15], $0x40, s26, s15, $0xb8;
	[tilespmem:$0x1E400] =	vst v63  }
0x2f: {  	_ =	swait.ge [sflag:s18], $0x8000  }
0x30: {  	[sflag:s18] =	ssyncset.done $0x0  }
0x31: {  	[sflag:s18] =	ssyncadd.s32 $0xFFFF8000  }
0x32: {  	[hbm4b:s13+s2] =	stream.linear.scatter [tilespmem:s16], [sflag:$0x4], $0x8000, $0x38;
	[tilespmem:$0x1E400] =	vst v63  }
0x33: {  	s30 =	simm.s32 $0x1800;
	_ =	swait.ge [sflag:s25], $0x8000  }
0x34: {  	s31 =	sadd.s32 $0x3000, s12;
	s1 =	sadd.s32 $0x3000, s13;
	[sflag:s25] =	ssyncset.done $0x0  }
0x35: {  	s0 =	sadd.s32 $0x3000, s11;
	s19 =	simm.s32 $0xA00;
	[sflag:s25] =	ssyncadd.s32 $0xFFFF8000  }
.LBB2_2:
0x36: {  	[tilespmem:s20], [sflag:$0x3] =	stream.indirect.gather [hbm4b:s3+s15], $0x40, s19, s15, $0xb8;
	[tilespmem:$0x1E400] =	vst v63  }
0x37: {  	s19 =	smov.u32 s30  }
0x38: {  	p0 =	sne.s32 s30, $0x15000;
	s30 =	sadd.s32 $0x1800, s30;
	_ =	swait.ge [sflag:s21], $0x8000  }
0x39: {  	[sflag:s21] =	ssyncset.done $0x0  }
0x3a: {  	[sflag:s21] =	ssyncadd.s32 $0xFFFF8000  }
0x3b: {  	[hbm4b:s31+s2] =	stream.linear.scatter [tilespmem:s17], [sflag:$0x5], $0x8000, $0x38;
	[tilespmem:$0x1E400] =	vst v63  }
0x3c: {  	_ =	swait.ge [sflag:s22], $0x8000  }
0x3d: {  	s19 =	sshra.s32 s19, $0x2;
	[sflag:s22] =	ssyncset.done $0x0  }
0x3e: {  	s26 =	sadd.s32 $0x600, s19;
	[sflag:s22] =	ssyncadd.s32 $0xFFFF8000  }
0x3f: {  	[tilespmem:s16], [sflag:$0x1] =	stream.indirect.gather [hbm4b:s3+s15], $0x40, s26, s15, $0xb8;
	[tilespmem:$0x1E400] =	vst v63  }
0x40: {  	_ =	swait.ge [sflag:s23], $0x8000  }
0x41: {  	[sflag:s23] =	ssyncset.done $0x0  }
0x42: {  	[sflag:s23] =	ssyncadd.s32 $0xFFFF8000  }
0x43: {  	[hbm4b:s0+s2] =	stream.linear.scatter [tilespmem:s20], [sflag:$0x6], $0x8000, $0x38;
	[tilespmem:$0x1E400] =	vst v63  }
0x44: {  	_ =	swait.ge [sflag:s24], $0x8000  }
0x45: {  	[sflag:s24] =	ssyncset.done $0x0  }
0x46: {  	s26 =	sadd.s32 $0x800, s19;
	[sflag:s24] =	ssyncadd.s32 $0xFFFF8000  }
0x47: {  	[tilespmem:s17], [sflag:$0x2] =	stream.indirect.gather [hbm4b:s3+s15], $0x40, s26, s15, $0xb8;
	[tilespmem:$0x1E400] =	vst v63  }
0x48: {  	_ =	swait.ge [sflag:s18], $0x8000  }
0x49: {  	[sflag:s18] =	ssyncset.done $0x0  }
.Ltmp0:
0x4a: {  	[sflag:s18] =	ssyncadd.s32 $0xFFFF8000;
	(pc) =	sbr.rel @p0 .LBB2_2-.Ltmp0, $4  }
0x4b: {  	[hbm4b:s1+s2] =	stream.linear.scatter [tilespmem:s16], [sflag:$0x4], $0x8000, $0x38;
	[tilespmem:$0x1E400] =	vst v63  }
0x4c: {  	_ =	swait.ge [sflag:s25], $0x8000  }
0x4d: {  	s31 =	sadd.s32 $0x3000, s31;
	s1 =	sadd.s32 $0x3000, s1;
	[sflag:s25] =	ssyncset.done $0x0  }
0x4e: {  	s19 =	sadd.s32 $0xA00, s19;
	s0 =	sadd.s32 $0x3000, s0;
	[sflag:s25] =	ssyncadd.s32 $0xFFFF8000  }
0x4f: {  	[tilespmem:s20], [sflag:$0x3] =	stream.indirect.gather [hbm4b:s3+s15], $0x40, s19, s15, $0xb8;
	[tilespmem:$0x1E400] =	vst v63  }
0x50: {  	_ =	swait.ge [sflag:s21], $0x8000  }
0x51: {  	[sflag:s21] =	ssyncset.done $0x0  }
0x52: {  	[sflag:s21] =	ssyncadd.s32 $0xFFFF8000  }
0x53: {  	[hbm4b:s6+s2] =	stream.linear.scatter [tilespmem:s17], [sflag:$0x5], $0x8000, $0x38;
	[tilespmem:$0x1E400] =	vst v63  }
0x54: {  	_ =	swait.ge [sflag:s22], $0x8000  }
0x55: {  	[sflag:s22] =	ssyncset.done $0x0  }
0x56: {  	s0 =	simm.s32 $0x6000;
	[sflag:s22] =	ssyncadd.s32 $0xFFFF8000  }
0x57: {  	[tilespmem:s16], [sflag:$0x1] =	stream.indirect.gather [hbm4b:s3+s15], $0x40, s0, s15, $0xb8;
	[tilespmem:$0x1E400] =	vst v63  }
0x58: {  	_ =	swait.ge [sflag:s23], $0x8000  }
0x59: {  	[sflag:s23] =	ssyncset.done $0x0  }
0x5a: {  	[sflag:s23] =	ssyncadd.s32 $0xFFFF8000  }
0x5b: {  	[hbm4b:s7+s2] =	stream.linear.scatter [tilespmem:s20], [sflag:$0x6], $0x8000, $0x38;
	[tilespmem:$0x1E400] =	vst v63  }
0x5c: {  	_ =	swait.ge [sflag:s24], $0x8000  }
0x5d: {  	[sflag:s24] =	ssyncset.done $0x0  }
0x5e: {  	[sflag:s24] =	ssyncadd.s32 $0xFFFF8000  }
0x5f: {  	[tilespmem:s17], [sflag:$0x2] =	stream.indirect.gather [hbm4b:s3+s15], $0x40, s28, s15, $0xb8;
	[tilespmem:$0x1E400] =	vst v63  }
0x60: {  	_ =	swait.ge [sflag:s18], $0x8000  }
0x61: {  	[sflag:s18] =	ssyncset.done $0x0  }
0x62: {  	[sflag:s18] =	ssyncadd.s32 $0xFFFF8000  }
0x63: {  	[hbm4b:s8+s2] =	stream.linear.scatter [tilespmem:s16], [sflag:$0x4], $0x8000, $0x38;
	[tilespmem:$0x1E400] =	vst v63  }
0x64: {  	_ =	swait.ge [sflag:s25], $0x8000  }
0x65: {  	[sflag:s25] =	ssyncset.done $0x0  }
0x66: {  	[sflag:s25] =	ssyncadd.s32 $0xFFFF8000  }
0x67: {  	_ =	swait.ge [sflag:s21], $0x8000  }
0x68: {  	[sflag:s21] =	ssyncset.done $0x0  }
0x69: {  	s29 =	sadd.s32 $0x1, s29;
	[sflag:s21] =	ssyncadd.s32 $0xFFFF8000  }
0x6a: {  	[hbm4b:s9+s2] =	stream.linear.scatter [tilespmem:s17], [sflag:$0x5], $0x8000, $0x38;
	[tilespmem:$0x1E400] =	vst v63  }
0x6b: {  	p0 =	sne.s32 s29, s10;
	_ =	swait.ge [sflag:s22], $0x8000  }
.Ltmp1:
0x6c: {  	[sflag:s22] =	ssyncset.done $0x0;
	(pc) =	sbr.rel @p0 .LBB2_1-.Ltmp1, $4  }
0x6d: {  	[sflag:s22] =	ssyncadd.s32 $0xFFFF8000  }
0x6e: {  	_ =	swait.ge [sflag:s24], $0x8000  }
0x6f: {  	[sflag:s24] =	ssyncset.done $0x0  }
0x70: {  	[sflag:s24] =	ssyncadd.s32 $0xFFFF8000  }
0x71: {  	_ =	sfence.sel $0x180000  }
0x72: {  	[bflag:$0x0] =	sbarrier.arrive $0xFFFF  }
0x73: {  	_ =	strace $0x90000047  }
0x74: {  	s0 =	stileid.u32;
	[bflag:$0x2] =	sbarrier.arrive $0xFFFF  }
0x75: {  	p0 =	sne.s32 s0, $0x0;
	s0 =	rddreg [dreg:$0x2]  }
0x76: {  	s0 =	sadd.s32 @!p0 $0x100000, s0  }
0x77: {  	[sflag:s0] =	ssyncadd.tile.s32 @!p0 $0x1;
	_ =	shalt  }
.Lfunc_end2:
_tile_overlayer_lowered:
.L_overlay_start_2:
0x78: {  	(tag) =	ssettag $0x2  }
0x79: {  	s0 =	rddreg [dreg:$0x0];
	s2 =	stileid.u32  }
0x7a: {  	s1 =	rddreg [dreg:$0x1];
	p0 =	sne.s32 s2, $0x0  }
0x7b: {  	s3 =	rddreg [dreg:$0x2];
	[bflag:$0x3] =	sbarrier.arrive $0xFFFF;
	s2 =	simm.s32 @!p0 $0x1C07  }
0x7c: {  	[timem:s3], [sflag:s2] =	dma.local @!p0 [hbm:s0], s1  }
0x7d: {  	s0 =	simm.s32 @!p0 $0x7  }
0x7e: {  	_ =	swait.ge @!p0 [sflag:s0], s1  }
0x7f: {  	s1 =	ssub.s32 @!p0 $0x0, s1;
	[sflag:s0] =	ssyncset.done @!p0 $0x0  }
0x80: {  	[sflag:s0] =	ssyncadd.s32 @!p0 s1  }
0x81: {  	[bflag:$0x3] =	sbarrier.arrive $0xFFFF  }
0x82: {  	_ =	shalt  }

// kernel: sparse-core-data-format-call.cloned.1.call-start
scs
called_computation_lowered:
.L_overlay_start_0:
0x0: {  	s2 =	sld [smem:$0x3FD9]  }
0x1: {  	s3 =	sld [smem:$0x3FFE];
	_ =	sdelay $0x1  }
0x2: {  	s1 =	srdreg.scid  }
0x3: {  	s0 =	sand.u32 $0x1, s1  }
0x4: {  	s18 =	sshll.u32 s0, $0xA;
	s2 =	sadd.s32 s3, s2  }
0x5: {  	s2 =	sadd.s32 s2, s18  }
0x6: {  	[smem:$0x3FC6] =	sst s2  }
0x7: {  	_ = 	snop  }
0x8: {  	s2 =	sld [smem:$0x3FD0];
	(tm) =	ssettm $0x1  }
0x9: {  	s19 =	sld [smem:$0x3FFB];
	_ =	sdelay $0x3  }
0xa: {  	_ =	strace s19  }
0xb: {  	s3 =	sld [smem:$0x3FFC];
	_ =	sdelay $0x3  }
0xc: {  	_ =	strace s3  }
0xd: {  	s3 =	sld [smem:$0x3FFD];
	_ =	sdelay $0x3  }
0xe: {  	_ =	strace s3  }
0xf: {  	_ =	strace $0x8FFFFFFF  }
0x10: {  	s20 =	sld [smem:$0x3FDB];
	_ =	sdelay $0x1  }
0x11: {  	s4 =	simm.s32 $_scs_section_size  }
0x12: {  	s5 =	simm.s32 $_size__tile_overlayer_lowered;
	s6 =	simm.s32 $_tile_overlayer_lowered  }
0x13: {  	s23 =	simm.s32 $0x1BFF;
	s22 =	sshll.u32 s6, $0x1;
	s3 =	sadd.s32 s4, s20  }
0x14: {  	s7 =	simm.s32 $0x0;
	s21 =	sshll.u32 s5, $0x1;
	s5 =	sadd.s32 s22, s3  }
0x15: {  	[timem:s7], [sflag:s23] =	dma.local [hbm:s5], s21  }
0x16: {  	_ =	swait.ge [sflag:s23], s21  }
0x17: {  	s4 =	ssub.s32 $0x0, s21;
	[sflag:s23] =	ssyncset.done $0x0  }
0x18: {  	[sflag:s23] =	ssyncadd.s32 s4;
	_ =	sdelay $0x1  }
0x19: {  	s24 =	simm.s32 $0x1B8B  }
0x1a: {  	_ =	swait.ge [sflag:s24], $0x1  }
0x1b: {  	[sflag:s24] =	ssyncset.done $0x0  }
0x1c: {  	s26 =	simm.s32 $0x1B8E;
	s25 =	sld [smem:$0x3FFE];
	[sflag:s24] =	ssyncadd.s32 $0xFFFFFFFF  }
0x1d: {  	s27 =	simm.s32 $execute0_lowered;
	[smem:$0x3FD2] =	sst s26  }
0x1e: {  	s5 =	sshll.u32 s27, $0x1;
	_ =	strace $0x80000049;
	[dreg:$0x1] =	wrdreg $0xFFFFFFFF  }
0x1f: {  	s28 =	simm.s32 $_size_execute0_lowered;
	s3 =	sadd.s32 s3, s5;
	[dreg:$0x0] =	wrdreg $0x0  }
0x20: {  	s5 =	sshll.u32 s28, $0x1;
	[dreg:$0x2] =	wrdreg s3  }
0x21: {  	[dreg:$0x3] =	wrdreg s5  }
0x22: {  	[dreg:$0x4] =	wrdreg $0xC0  }
0x23: {  	_ =	task [dreg:s7], $0x5FFFF  }
0x24: {  	[dreg:$0x1] =	wrdreg $0xFFFFFFFF  }
0x25: {  	[dreg:$0x0] =	wrdreg $0x60  }
0x26: {  	[dreg:$0x2] =	wrdreg s25  }
0x27: {  	[dreg:$0x3] =	wrdreg s2  }
0x28: {  	[dreg:$0x4] =	wrdreg $0x9  }
0x29: {  	_ =	task.clear_ibuf [dreg:s7], $0x5FFFF;
	_ =	strace $0x90000049  }
0x2a: {  	s29 =	simm.s32 $0x9;
	_ =	strace $0x8000004B  }
0x2b: {  	_ =	swait.ge [sflag:s29], $0x1  }
0x2c: {  	[sflag:s29] =	ssyncadd.s32 $0xFFFFFFFF  }
0x2d: {  	_ =	strace $0x9000004B  }
0x2e: {  	_ =	sfence  }
0x2f: {  	s30 =	sld [smem:$0x0];
	_ =	sdelay $0x2  }
0x30: {  	s31 =	sshll.u32 s1, $0xD;
	s1 =	sshrl.u32 s1, $0x2  }
0x31: {  	s3 =	sand.u32 $0x4000, s31;
	s1 =	sadd.s32 s1, s30  }
0x32: {  	s0 =	sor.u32 s3, s0;
	s1 =	sshll.u32 s1, $0x11  }
0x33: {  	s0 =	sor.u32 s1, s0  }
0x34: {  	s0 =	sadd.s32 $0x8F2B, s0  }
0x35: {  	[sflag:s0] =	ssyncadd.remote.s32 $0x1  }
0x36: {  	_ =	sfence.sel $0xFFFF  }
0x37: {  	[dreg:$0x0] =	wrdreg $0xFFFFFFFF;
	(pc) =	sbr.abs _section_cstart, $3  }
0x38: {  	[dreg:$0x1] =	wrdreg $0xFFFFFFFF  }
0x39: {  	_ =	task.clear_ibuf [dreg:s7], $0x2FFFF;
	_ =	strace $0x9FFFFFFF  }
0x3a: {  	(tm) =	ssettm $0x7FFFFFFF  }
0x3b: {  	_ =	shalt  }
tec
execute0_lowered:
.L_overlay_start_1:
0x0: {  	(tag) =	ssettag $0x1  }
0x1: {  	s0 =	srdreg.scid  }
0x2: {  	s1 =	sshll.u32 s0, $0x4  }
0x3: {  	s0 =	stileid.u32;
	s1 =	sand.u32 $0x10, s1  }
0x4: {  	s1 =	sor.u32 s0, s1  }
0x5: {  	s6 =	rddreg [dreg:$0x0];
	s4 =	simm.s32 $0x1;
	s2 =	sshll.u32 s1, $0x7  }
0x6: {  	s7 =	simm.s32 $0x2;
	s12 =	simm.s32 $0x0;
	s1 =	ssub.s32 $0x4000, s2  }
0x7: {  	s8 =	simm.s32 $0x20000;
	s13 =	simm.s32 $0x0;
	s3 =	sand.u32 $0xF80, s1  }
0x8: {  	s9 =	simm.s32 $0x0;
	s5 =	sshrl.u32 s1, $0xC;
	p0 =	sne.s32 s3, $0x0  }
.Ltmp0:
0x9: {  	s1 =	rddreg [dreg:$0x2];
	s4 =	simm.s32 @!p0 $0x0;
	(pc) =	sbr.rel .LBB1_1-.Ltmp0, $4  }
0xa: {  	s11 =	simm.s32 $0x0;
	s3 =	rddreg [dreg:$0x1];
	s5 =	sadd.s32 s4, s5  }
0xb: {  	_ =	strace $0x8000004A;
	s4 =	simm.s32 $0x1;
	s5 =	smul.u32 $0x32, s5  }
0xc: {  	s6 =	sadd.s32 $0xA00, s6;
	s10 =	smov.u32 s2;
	[sflag:s4] =	ssyncpa.u1 $0x0  }
0xd: {  	p0 =	por $0x0, $0x0;
	[sflag:s7] =	ssyncpa.u1 $0x0;
	s7 =	sor.u32 $0x1, s5  }
.LBB1_4:
0xe: {  	s16 =	sshll.u32 s13, $0x3;
	s17 =	sand.u32 $0x78, s13  }
0xf: {  	s30 =	sand.u32 $0x1F800, s13;
	s12 =	sshll.u32 s12, $0x11;
	s16 =	sand.u32 $0x3C00, s16  }
0x10: {  	[tilespmem:s15+$0x810 ss:$0x81] =	vst.msk $0xffff, v2;
	s31 =	sand.u32 $0x7, s13;
	s16 =	sor.u32 s17, s16;
	s17 =	sadd.s32 s3, s30  }
0x11: {  	[tilespmem:s15+$0x1020 ss:$0x81] =	vst.msk $0xffff, v0;
	s13 =	sshll.u32 s31, $0x12;
	s12 =	sadd.s32 s12, s17;
	s16 =	sshrl.u32 s16, $0x3  }
0x12: {  	[tilespmem:s15+$0x0 ss:$0x81] =	vst.msk $0xffff, v1;
	s13 =	sor.u32 $0x400, s13;
	s12 =	sadd.s32 s16, s12  }
0x13: {  	[hbm4b:s12+s13] =	stream.strided.scatter [tilespmem:s14], [sflag:$0x2], $0x2000, s8, s13, $0x20;
	[tilespmem:$0x8080] =	vst v63  }
.LBB1_5:
0x14: {  	s14 =	sadd.s32 $0x1, s9  }
0x15: {  	s12 =	sadd.s32 $0x1000, s10;
	s16 =	smov.u32 s10;
	p2 =	sgt.s32 s14, $0x31  }
0x16: {  	s16 =	smov.u32 @p2 s12  }
0x17: {  	s14 =	simm.s32 @p2 $0x0;
	p2 =	sgt.s32 s16, $0x3FFF  }
0x18: {  	s16 =	smov.u32 @p2 s2;
	p2 =	sne.s32 s11, s7  }
.Ltmp1:
0x19: {  	p1 =	slt.u32 s11, $0x2;
	(pc) =	sbr.rel @!p2 .LBB1_6-.Ltmp1, $4  }
0x1a: {  	s15 =	simm.s32 @!p1 $0x2  }
0x1b: {  	s13 =	smov.u32 s10;
	p0 =	por !p0, !p0;
	_ =	swait.ge @!p1 [sflag:s15], $0x2000  }
0x1c: {  	s12 =	smov.u32 s9;
	[sflag:s15] =	ssyncset.done @!p1 $0x0;
	s9 =	smov.u32 s14  }
0x1d: {  	s11 =	sadd.s32 $0x1, s11;
	[sflag:s15] =	ssyncadd.s32 @!p1 $0xFFFFE000;
	s10 =	smov.u32 s16  }
.LBB1_1:
0x1e: {  	p1 =	sge.u32 s11, s5  }
0x1f: {  	s14 =	sand.u32 @!p1 $0x1FFFFFF, s9  }
0x20: {  	s15 =	smulhi.u32 @!p1 $0x4924925, s14;
	_ =	sdelay $0x1  }
0x21: {  	s15 =	smul.u32 @!p1 $0x38, s15  }
0x22: {  	s16 =	sxor.u32 @!p1 $0xFFFFFFFF, s11;
	s17 =	smul.u32 @!p1 $0x380, s10  }
0x23: {  	s31 =	sadd.s32 $0xFFFFFFFF, s11;
	s16 =	sshll.u32 @!p1 s16, $0xD;
	s14 =	ssub.s32 @!p1 s14, s15  }
0x24: {  	s15 =	sand.u32 @!p1 $0x2000, s16;
	s16 =	sadd.s32 @!p1 s6, s17;
	s14 =	sshll.u32 @!p1 s14, $0x4  }
0x25: {  	s17 =	simm.s32 @!p1 $0x1C00;
	s14 =	sadd.s32 @!p1 s14, s16;
	s16 =	simm.s32 @!p1 $0x40  }
0x26: {  	[tilespmem:s15], [sflag:$0x1] =	stream.strided.gather @!p1 [hbm4b:s14+s16], $0x2000, s17, s16, $0x38;
	[tilespmem:$0x8080] =	vst v63  }
0x27: {  	p1 =	sge.u32 s31, s5  }
.Ltmp2:
0x28: {  	_ = 	snop;
	(pc) =	sbr.rel @p1 .LBB1_5-.Ltmp2, $1  }
0x29: {  	_ =	sdelay $0x3  }
0x2a: {  	s14 =	simm.s32 $0x1  }
0x2b: {  	_ =	swait.ge [sflag:s4], $0x2000;
	s14 =	simm.s32 @!p0 $0x0  }
0x2c: {  	[sflag:s4] =	ssyncset.done $0x0;
	s15 =	sshll.u32 s14, $0xD  }
0x2d: {  	[sflag:s4] =	ssyncadd.s32 $0xFFFFE000;
	s18 =	sor.u32 $0x20, s15  }
0x2e: {  	s14 =	smul.u32 $0x8100, s14;
	v3 =	vld [tilespmem:s18+$0x10]  }
0x2f: {  	s30 =	sand.u32 $0x1, s11;
	v2 =	vld [tilespmem:s18+$0xFFFFFFF0]  }
0x30: {  	s15 =	smul.u32 $0x8100, s30;
	s14 =	sshrl.u32 s14, $0x2;
	v0 =	vld [tilespmem:s18+$0x0]  }
0x31: {  	v1 =	vld [tilespmem:s18+$0xFFFFFFE0];
	s16 =	sor.u32 $0x4000, s14  }
0x32: {  	s31 =	sshrl.u32 s15, $0x2;
	s15 =	sadd.s32 $0x0, s16  }
0x33: {  	s17 =	simm.s32 $0x4;
	s18 =	sadd.s32 $0x40, s18;
	s14 =	sor.u32 $0x4000, s31;
	[tilespmem:s15+$0x1830 ss:$0x81] =	vst.msk $0xffff, v3  }
.LBB1_3:
0x34: {  	v3 =	vld [tilespmem:s18+$0x10];
	p1 =	sne.s32 s17, $0x1FC;
	[tilespmem:s15+$0x810 ss:$0x81] =	vst.msk $0xffff, v2;
	s19 =	smov.u32 s17;
	s17 =	sadd.s32 $0x4, s17  }
.Ltmp3:
0x35: {  	v2 =	vld [tilespmem:s18+$0xFFFFFFF0];
	[tilespmem:s15+$0x1020 ss:$0x81] =	vst.msk $0xffff, v0;
	(pc) =	sbr.rel @p1 .LBB1_3-.Ltmp3, $4  }
0x36: {  	v0 =	vld [tilespmem:s18+$0x0];
	[tilespmem:s15+$0x0 ss:$0x81] =	vst.msk $0xffff, v1  }
0x37: {  	s15 =	sshra.s32 s19, $0x2;
	v1 =	vld [tilespmem:s18+$0xFFFFFFE0]  }
0x38: {  	s15 =	sadd.s32 s15, s16  }
0x39: {  	s18 =	sadd.s32 $0x40, s18;
	[tilespmem:s15+$0x1830 ss:$0x81] =	vst.msk $0xffff, v3  }
.Ltmp4:
0x3a: {  	_ = 	snop;
	(pc) =	sbr.rel .LBB1_4-.Ltmp4, $1  }
0x3b: {  	_ =	sdelay $0x3  }
.LBB1_6:
0x3c: {  	_ =	sfence.sel $0x180000  }
0x3d: {  	s2 =	simm.s32 $0x1;
	[bflag:$0x0] =	sbarrier.arrive $0xFFFF  }
0x3e: {  	s31 =	simm.s32 $0x2;
	[sflag:s2] =	ssyncpa.u1 $0x1  }
0x3f: {  	[sflag:s31] =	ssyncpa.u1 $0x1  }
0x40: {  	p0 =	sne.s32 s0, $0x0;
	_ =	strace $0x9000004A  }
0x41: {  	s0 =	sadd.s32 @!p0 $0x100000, s1;
	[bflag:$0x2] =	sbarrier.arrive $0xFFFF  }
0x42: {  	[sflag:s0] =	ssyncadd.tile.s32 @!p0 $0x1;
	_ =	shalt  }
.Lfunc_end1:
_tile_overlayer_lowered:
.L_overlay_start_2:
0x43: {  	(tag) =	ssettag $0x2  }
0x44: {  	s0 =	rddreg [dreg:$0x0];
	s2 =	stileid.u32  }
0x45: {  	s1 =	rddreg [dreg:$0x1];
	p0 =	sne.s32 s2, $0x0  }
0x46: {  	s3 =	rddreg [dreg:$0x2];
	[bflag:$0x3] =	sbarrier.arrive $0xFFFF;
	s2 =	simm.s32 @!p0 $0x1C01  }
0x47: {  	[timem:s3], [sflag:s2] =	dma.local @!p0 [hbm:s0], s1  }
0x48: {  	s0 =	simm.s32 @!p0 $0x1  }
0x49: {  	_ =	swait.ge @!p0 [sflag:s0], s1  }
0x4a: {  	s1 =	ssub.s32 @!p0 $0x0, s1;
	[sflag:s0] =	ssyncset.done @!p0 $0x0  }
0x4b: {  	[sflag:s0] =	ssyncadd.s32 @!p0 s1  }
0x4c: {  	[bflag:$0x3] =	sbarrier.arrive $0xFFFF  }
0x4d: {  	_ =	shalt  }

</sc_bundles>
